<compile_context>
chip_gen: v7x
topology: tpu7x:2x2x1
jax: 0.10.2.dev20260603
libtpu: 0.0.44.dev20260713+nightly
codegen_flags: <defaults>
</compile_context>

<pallas_src>
import functools

import jax
import jax.numpy as jnp
from jax import lax
from jax.experimental import pallas as pl
from jax.experimental.pallas import tpu as pltpu
from jax.experimental.pallas import tpu_sc as plsc

_NUM_DOMAINS = 1000
_NUM_STYLES = 100000
_DOM_DIM = 64
_STYLE_DIM = 128
_COND_DIM = 1024
_BATCH = 16384

_CHUNK = 128


def _make_gather(batch):
    info = plsc.get_sparse_core_info()
    nw = info.num_cores * info.num_subcores
    b_per_w = batch // nw
    nch = b_per_w // _CHUNK

    mesh = plsc.VectorSubcoreMesh(core_axis_name="c", subcore_axis_name="s")

    @functools.partial(
        pl.kernel,
        mesh=mesh,
        out_type=[
            jax.ShapeDtypeStruct((batch, _STYLE_DIM), jnp.float32),
            jax.ShapeDtypeStruct((batch, _STYLE_DIM), jnp.float32),
        ],
        scratch_types=[
            pltpu.VMEM((nch, _CHUNK), jnp.int32),
            pltpu.VMEM((nch, _CHUNK), jnp.int32),
            pltpu.VMEM((2, _CHUNK, _STYLE_DIM), jnp.float32),
            pltpu.VMEM((2, _CHUNK, _STYLE_DIM), jnp.float32),
            pltpu.VMEM_SHARED((_NUM_DOMAINS, _STYLE_DIM), jnp.float32),
            pltpu.SemaphoreType.DMA,
            pltpu.SemaphoreType.DMA,
            pltpu.SemaphoreType.DMA,
            pltpu.SemaphoreType.DMA,
        ],
    )
    def gather(dom_tab, sty_tab, dom_id, sty_id, dom_out, sty_out,
               idx_d, idx_s, dom_v, sty_v, dom_sh, sd0, sd1, ss0, ss1):
        sid = lax.axis_index("s")
        wid = sid * info.num_cores + lax.axis_index("c")
        base = wid * b_per_w
        sem_d = (sd0, sd1)
        sem_s = (ss0, ss1)

        @pl.when(sid == 0)
        def _():
            pltpu.sync_copy(dom_tab, dom_sh)

        pltpu.sync_copy(dom_id.at[wid], idx_d)
        pltpu.sync_copy(sty_id.at[wid], idx_s)
        plsc.subcore_barrier()

        def fire(j, buf):
            cd = pltpu.async_copy(dom_sh.at[idx_d.at[j]], dom_v.at[buf],
                                  sem_d[buf])
            cs = pltpu.async_copy(sty_tab.at[idx_s.at[j]], sty_v.at[buf],
                                  sem_s[buf])
            return cd, cs

        pend = fire(0, 0)
        for j in range(nch):
            cur = pend
            if j + 1 < nch:
                pend = fire(j + 1, (j + 1) % 2)
            cur[0].wait()
            cur[1].wait()
            buf = j % 2
            pltpu.sync_copy(dom_v.at[buf],
                            dom_out.at[pl.ds(base + j * _CHUNK, _CHUNK)])
            pltpu.sync_copy(sty_v.at[buf],
                            sty_out.at[pl.ds(base + j * _CHUNK, _CHUNK)])

    def run(dom_tab, sty_tab, dom_id, sty_id):
        dom_tab_p = jnp.pad(dom_tab, ((0, 0), (0, _STYLE_DIM - _DOM_DIM)))
        dom_id_r = dom_id.astype(jnp.int32).reshape(nw, nch, _CHUNK)
        sty_id_r = sty_id.astype(jnp.int32).reshape(nw, nch, _CHUNK)
        return gather(dom_tab_p, sty_tab, dom_id_r, sty_id_r)

    return run


def _mlp_body(dom_ref, sty_ref, w1a_ref, w1b_ref, b1_ref, w2_ref, b2_ref,
              out_ref):
    h = (jnp.dot(dom_ref[:, :_DOM_DIM], w1a_ref[...],
                 preferred_element_type=jnp.float32)
         + jnp.dot(sty_ref[...], w1b_ref[...],
                   preferred_element_type=jnp.float32)
         + b1_ref[...])
    a = h * 0.5 * (1.0 + jnp.tanh(0.5 * h))
    out_ref[...] = (jnp.dot(a, w2_ref[...],
                            preferred_element_type=jnp.float32)
                    + b2_ref[...])


def _mlp(dom, sty, w1a, w1b, b1, w2, b2, block_b=1024):
    batch = dom.shape[0]
    nblk = batch // block_b
    return pl.pallas_call(
        _mlp_body,
        grid=(nblk,),
        in_specs=[
            pl.BlockSpec((block_b, _STYLE_DIM), lambda i: (i, 0)),
            pl.BlockSpec((block_b, _STYLE_DIM), lambda i: (i, 0)),
            pl.BlockSpec((_DOM_DIM, _COND_DIM), lambda i: (0, 0)),
            pl.BlockSpec((_STYLE_DIM, _COND_DIM), lambda i: (0, 0)),
            pl.BlockSpec((1, _COND_DIM), lambda i: (0, 0)),
            pl.BlockSpec((_COND_DIM, _COND_DIM), lambda i: (0, 0)),
            pl.BlockSpec((1, _COND_DIM), lambda i: (0, 0)),
        ],
        out_specs=pl.BlockSpec((block_b, _COND_DIM), lambda i: (i, 0)),
        out_shape=jax.ShapeDtypeStruct((batch, _COND_DIM), jnp.float32),
        compiler_params=pltpu.CompilerParams(
            dimension_semantics=("arbitrary",),
        ),
    )(dom, sty, w1a, w1b, b1, w2, b2)


_gather = _make_gather(_BATCH)


def kernel(domain_id, style_id, domain_table, style_table, W1, b1, W2, b2):
    dom, sty = _gather(domain_table, style_table, domain_id, style_id)
    return _mlp(dom, sty, W1[:_DOM_DIM], W1[_DOM_DIM:], b1.reshape(1, -1),
                W2, b2.reshape(1, -1))

# --- scband reference (transcript-rebuilt; emitter-appended) ---
"""Pipeline reference for scband-cond-embedding-81003083203151 (READ-ONLY COPY).

The authoritative reference and input builder live on the scoring server;
editing this copy changes nothing except your own understanding.
"""

import jax, jax.numpy as jnp
import numpy as np

NUM_DOMAINS = 1000
NUM_STYLES = 100000
DOM_DIM = 64
STYLE_DIM = 128
COND_DIM = 1024
BATCH = 16384


def setup_inputs(seed: int = 0) -> dict:
    key = jax.random.key(seed)
    k1, k2, k3, k4, k5, k6, k7, k8 = jax.random.split(key, 8)
    domain_id = jax.random.randint(k1, (BATCH,), 0, NUM_DOMAINS, dtype=jnp.int64 if jax.config.jax_enable_x64 else jnp.int32)
    style_id = jax.random.randint(k2, (BATCH,), 0, NUM_STYLES, dtype=jnp.int64 if jax.config.jax_enable_x64 else jnp.int32)
    domain_table = jax.random.normal(k3, (NUM_DOMAINS, DOM_DIM), dtype=jnp.float32)
    style_table = jax.random.normal(k4, (NUM_STYLES, STYLE_DIM), dtype=jnp.float32)
    in_dim = DOM_DIM + STYLE_DIM
    W1 = jax.random.normal(k5, (in_dim, COND_DIM), dtype=jnp.float32) * (1.0 / np.sqrt(in_dim))
    b1 = jax.random.normal(k6, (COND_DIM,), dtype=jnp.float32) * 0.01
    W2 = jax.random.normal(k7, (COND_DIM, COND_DIM), dtype=jnp.float32) * (1.0 / np.sqrt(COND_DIM))
    b2 = jax.random.normal(k8, (COND_DIM,), dtype=jnp.float32) * 0.01
    return {
        "domain_id": domain_id,
        "style_id": style_id,
        "domain_table": domain_table,
        "style_table": style_table,
        "W1": W1,
        "b1": b1,
        "W2": W2,
        "b2": b2,
    }


def reference(domain_id, style_id, domain_table, style_table, W1, b1, W2, b2):
    # Eval-mode forward (no conditional style dropout, which only occurs in training).
    dom = jnp.take(domain_table, domain_id, axis=0)  # [B, DOM_DIM]
    sty = jnp.take(style_table, style_id, axis=0)    # [B, STYLE_DIM]
    cond = jnp.concatenate([dom, sty], axis=-1)      # [B, DOM_DIM+STYLE_DIM]
    h = cond @ W1 + b1
    h = h * jax.nn.sigmoid(h)  # SiLU
    out = h @ W2 + b2
    return out

if __name__ == "__main__":
    import jax
    _d = setup_inputs()
    print(jax.jit(kernel)(*tuple(_d.values())))

</pallas_src>

<mosaic_0001>
#map = affine_map<(d0, d1) -> (0, 0)>
#map1 = affine_map<(d0, d1) -> (0, 0, 0)>
module attributes {stable_mosaic.version = 14 : i64} {
  func.func @gather(%arg0: i32, %arg1: i32, %arg2: memref<1000x128xf32, #tpu.memory_space<hbm>>, %arg3: memref<100000x128xf32, #tpu.memory_space<hbm>>, %arg4: memref<32x4x128xi32, #tpu.memory_space<hbm>>, %arg5: memref<32x4x128xi32, #tpu.memory_space<hbm>>, %arg6: memref<16384x128xf32, #tpu.memory_space<hbm>>, %arg7: memref<16384x128xf32, #tpu.memory_space<hbm>>, %arg8: memref<4x128xi32, #tpu.memory_space<vmem>>, %arg9: memref<4x128xi32, #tpu.memory_space<vmem>>, %arg10: memref<2x128x128xf32, #tpu.memory_space<vmem>>, %arg11: memref<2x128x128xf32, #tpu.memory_space<vmem>>, %arg12: memref<1000x128xf32, #tpu.memory_space<vmem_shared>>, %arg13: memref<!tpu.dma_semaphore, #tpu.memory_space<semaphore_mem>>, %arg14: memref<!tpu.dma_semaphore, #tpu.memory_space<semaphore_mem>>, %arg15: memref<!tpu.dma_semaphore, #tpu.memory_space<semaphore_mem>>, %arg16: memref<!tpu.dma_semaphore, #tpu.memory_space<semaphore_mem>>) attributes {dimension_semantics = [#tpu.dimension_semantics<core_parallel>, #tpu.dimension_semantics<subcore_parallel>], iteration_bounds = array<i64: 2, 16>, scalar_prefetch = 0 : i64, scratch_operands = 9 : i64, tpu.core_type = #tpu.core_type<sc_vector_subcore>, window_params = [{transform_indices = #map}, {transform_indices = #map}, {transform_indices = #map1}, {transform_indices = #map1}, {transform_indices = #map}, {transform_indices = #map}]} {
    %mul3A = arith.constant 2 : i32
    %mul3A_0 = arith.muli %arg1, %mul3A : i32
    %add3A = arith.addi %mul3A_0, %arg0 : i32
    %mul3A_1 = arith.constant 512 : i32
    %mul3A_2 = arith.muli %add3A, %mul3A_1 : i32
    %eq3A = arith.constant 0 : i32
    %eq3A_3 = arith.cmpi eq, %arg1, %eq3A : i32
    %convert_element_type3A = arith.extui %eq3A_3 : i1 to i32
    %cond3A = arith.constant 0 : i32
    %cond3A_4 = arith.cmpi ne, %convert_element_type3A, %cond3A : i32
    scf.if %cond3A_4 {
      "tpu.region"() ({
        %run_scoped3A_218 = tpu.sem_alloc : memref<!tpu.dma_semaphore, #tpu.memory_space<semaphore_mem>>
        tpu.enqueue_dma source(%arg2 : memref<1000x128xf32, #tpu.memory_space<hbm>>) target(%arg12 : memref<1000x128xf32, #tpu.memory_space<vmem_shared>>) target_semaphore(%run_scoped3A_218 : memref<!tpu.dma_semaphore, #tpu.memory_space<semaphore_mem>>)
        tpu.wait_dma2 semaphore(%run_scoped3A_218 : memref<!tpu.dma_semaphore, #tpu.memory_space<semaphore_mem>>) src(%arg2 : memref<1000x128xf32, #tpu.memory_space<hbm>>) dst(%arg12 : memref<1000x128xf32, #tpu.memory_space<vmem_shared>>)
        tpu.yield
      }) : () -> ()
    } else {
    }
    "tpu.region"() ({
      %run_scoped3A_218 = tpu.sem_alloc : memref<!tpu.dma_semaphore, #tpu.memory_space<semaphore_mem>>
      %dma_start3A_219 = arith.constant 0 : i32
      %dma_start3A_220 = arith.constant 0 : i32
      %dma_start3A_221 = tpu.memref_slice %arg4[%add3A, %dma_start3A_219, %dma_start3A_220] : memref<32x4x128xi32, #tpu.memory_space<hbm>> -> memref<1x4x128xi32, #tpu.memory_space<hbm>>
      %dma_start3A_222 = tpu.memref_squeeze %dma_start3A_221 : memref<1x4x128xi32, #tpu.memory_space<hbm>> -> memref<4x128xi32, #tpu.memory_space<hbm>>
      %dma_start3A_223 = arith.constant 0 : i32
      %dma_start3A_224 = arith.constant 0 : i32
      %dma_start3A_225 = tpu.memref_slice %arg4[%add3A, %dma_start3A_223, %dma_start3A_224] : memref<32x4x128xi32, #tpu.memory_space<hbm>> -> memref<1x4x128xi32, #tpu.memory_space<hbm>>
      %dma_start3A_226 = tpu.memref_squeeze %dma_start3A_225 : memref<1x4x128xi32, #tpu.memory_space<hbm>> -> memref<4x128xi32, #tpu.memory_space<hbm>>
      tpu.enqueue_dma source(%dma_start3A_226 : memref<4x128xi32, #tpu.memory_space<hbm>>) target(%arg8 : memref<4x128xi32, #tpu.memory_space<vmem>>) target_semaphore(%run_scoped3A_218 : memref<!tpu.dma_semaphore, #tpu.memory_space<semaphore_mem>>)
      %dma_wait3A_227 = arith.constant 0 : i32
      %dma_wait3A_228 = arith.constant 0 : i32
      %dma_wait3A_229 = tpu.memref_slice %arg4[%add3A, %dma_wait3A_227, %dma_wait3A_228] : memref<32x4x128xi32, #tpu.memory_space<hbm>> -> memref<1x4x128xi32, #tpu.memory_space<hbm>>
      %dma_wait3A_230 = tpu.memref_squeeze %dma_wait3A_229 : memref<1x4x128xi32, #tpu.memory_space<hbm>> -> memref<4x128xi32, #tpu.memory_space<hbm>>
      %dma_wait3A_231 = arith.constant 0 : i32
      %dma_wait3A_232 = arith.constant 0 : i32
      %dma_wait3A_233 = tpu.memref_slice %arg4[%add3A, %dma_wait3A_231, %dma_wait3A_232] : memref<32x4x128xi32, #tpu.memory_space<hbm>> -> memref<1x4x128xi32, #tpu.memory_space<hbm>>
      %dma_wait3A_234 = tpu.memref_squeeze %dma_wait3A_233 : memref<1x4x128xi32, #tpu.memory_space<hbm>> -> memref<4x128xi32, #tpu.memory_space<hbm>>
      tpu.wait_dma2 semaphore(%run_scoped3A_218 : memref<!tpu.dma_semaphore, #tpu.memory_space<semaphore_mem>>) src(%dma_wait3A_234 : memref<4x128xi32, #tpu.memory_space<hbm>>) dst(%arg8 : memref<4x128xi32, #tpu.memory_space<vmem>>)
      tpu.yield
    }) : () -> ()
    "tpu.region"() ({
      %run_scoped3A_218 = tpu.sem_alloc : memref<!tpu.dma_semaphore, #tpu.memory_space<semaphore_mem>>
      %dma_start3A_219 = arith.constant 0 : i32
      %dma_start3A_220 = arith.constant 0 : i32
      %dma_start3A_221 = tpu.memref_slice %arg5[%add3A, %dma_start3A_219, %dma_start3A_220] : memref<32x4x128xi32, #tpu.memory_space<hbm>> -> memref<1x4x128xi32, #tpu.memory_space<hbm>>
      %dma_start3A_222 = tpu.memref_squeeze %dma_start3A_221 : memref<1x4x128xi32, #tpu.memory_space<hbm>> -> memref<4x128xi32, #tpu.memory_space<hbm>>
      %dma_start3A_223 = arith.constant 0 : i32
      %dma_start3A_224 = arith.constant 0 : i32
      %dma_start3A_225 = tpu.memref_slice %arg5[%add3A, %dma_start3A_223, %dma_start3A_224] : memref<32x4x128xi32, #tpu.memory_space<hbm>> -> memref<1x4x128xi32, #tpu.memory_space<hbm>>
      %dma_start3A_226 = tpu.memref_squeeze %dma_start3A_225 : memref<1x4x128xi32, #tpu.memory_space<hbm>> -> memref<4x128xi32, #tpu.memory_space<hbm>>
      tpu.enqueue_dma source(%dma_start3A_226 : memref<4x128xi32, #tpu.memory_space<hbm>>) target(%arg9 : memref<4x128xi32, #tpu.memory_space<vmem>>) target_semaphore(%run_scoped3A_218 : memref<!tpu.dma_semaphore, #tpu.memory_space<semaphore_mem>>)
      %dma_wait3A_227 = arith.constant 0 : i32
      %dma_wait3A_228 = arith.constant 0 : i32
      %dma_wait3A_229 = tpu.memref_slice %arg5[%add3A, %dma_wait3A_227, %dma_wait3A_228] : memref<32x4x128xi32, #tpu.memory_space<hbm>> -> memref<1x4x128xi32, #tpu.memory_space<hbm>>
      %dma_wait3A_230 = tpu.memref_squeeze %dma_wait3A_229 : memref<1x4x128xi32, #tpu.memory_space<hbm>> -> memref<4x128xi32, #tpu.memory_space<hbm>>
      %dma_wait3A_231 = arith.constant 0 : i32
      %dma_wait3A_232 = arith.constant 0 : i32
      %dma_wait3A_233 = tpu.memref_slice %arg5[%add3A, %dma_wait3A_231, %dma_wait3A_232] : memref<32x4x128xi32, #tpu.memory_space<hbm>> -> memref<1x4x128xi32, #tpu.memory_space<hbm>>
      %dma_wait3A_234 = tpu.memref_squeeze %dma_wait3A_233 : memref<1x4x128xi32, #tpu.memory_space<hbm>> -> memref<4x128xi32, #tpu.memory_space<hbm>>
      tpu.wait_dma2 semaphore(%run_scoped3A_218 : memref<!tpu.dma_semaphore, #tpu.memory_space<semaphore_mem>>) src(%dma_wait3A_234 : memref<4x128xi32, #tpu.memory_space<hbm>>) dst(%arg9 : memref<4x128xi32, #tpu.memory_space<vmem>>)
      tpu.yield
    }) : () -> ()
    %barrier3A = arith.constant 0 : index
    tpu.barrier barrier_id(%barrier3A)
    %dma_start3A = arith.constant 0 : i32
    %dma_start3A_5 = arith.constant 0 : i32
    %dma_start3A_6 = arith.constant 0 : i32
    %dma_start3A_7 = arith.constant 0 : i32
    %dma_start3A_8 = tpu.memref_slice %arg10[%dma_start3A_5, %dma_start3A_6, %dma_start3A_7] : memref<2x128x128xf32, #tpu.memory_space<vmem>> -> memref<1x128x128xf32, #tpu.memory_space<vmem>>
    %dma_start3A_9 = tpu.memref_squeeze %dma_start3A_8 : memref<1x128x128xf32, #tpu.memory_space<vmem>> -> memref<128x128xf32, #tpu.memory_space<vmem>>
    %dma_start3A_10 = arith.constant 0 : i32
    %dma_start3A_11 = tpu.memref_slice %arg8[%dma_start3A, %dma_start3A_10] : memref<4x128xi32, #tpu.memory_space<vmem>> -> memref<1x128xi32, #tpu.memory_space<vmem>>
    %dma_start3A_12 = tpu.memref_squeeze %dma_start3A_11 : memref<1x128xi32, #tpu.memory_space<vmem>> -> memref<128xi32, #tpu.memory_space<vmem>>
    %dma_start3A_13 = arith.constant 0 : i32
    %dma_start3A_14 = arith.constant 0 : i32
    %dma_start3A_15 = tpu.memref_slice %arg12[%dma_start3A_13, %dma_start3A_14] : memref<1000x128xf32, #tpu.memory_space<vmem_shared>> -> memref<1000x128xf32, #tpu.memory_space<vmem_shared>>
    tpu.enqueue_indirect_dma source(%dma_start3A_15 : memref<1000x128xf32, #tpu.memory_space<vmem_shared>>) target(%dma_start3A_9 : memref<128x128xf32, #tpu.memory_space<vmem>>) offsets(%dma_start3A_12 : memref<128xi32, #tpu.memory_space<vmem>>) semaphore(%arg13 : memref<!tpu.dma_semaphore, #tpu.memory_space<semaphore_mem>>)
    %dma_start3A_16 = arith.constant 0 : i32
    %dma_start3A_17 = arith.constant 0 : i32
    %dma_start3A_18 = arith.constant 0 : i32
    %dma_start3A_19 = arith.constant 0 : i32
    %dma_start3A_20 = tpu.memref_slice %arg11[%dma_start3A_17, %dma_start3A_18, %dma_start3A_19] : memref<2x128x128xf32, #tpu.memory_space<vmem>> -> memref<1x128x128xf32, #tpu.memory_space<vmem>>
    %dma_start3A_21 = tpu.memref_squeeze %dma_start3A_20 : memref<1x128x128xf32, #tpu.memory_space<vmem>> -> memref<128x128xf32, #tpu.memory_space<vmem>>
    %dma_start3A_22 = arith.constant 0 : i32
    %dma_start3A_23 = tpu.memref_slice %arg9[%dma_start3A_16, %dma_start3A_22] : memref<4x128xi32, #tpu.memory_space<vmem>> -> memref<1x128xi32, #tpu.memory_space<vmem>>
    %dma_start3A_24 = tpu.memref_squeeze %dma_start3A_23 : memref<1x128xi32, #tpu.memory_space<vmem>> -> memref<128xi32, #tpu.memory_space<vmem>>
    %dma_start3A_25 = arith.constant 0 : i32
    %dma_start3A_26 = arith.constant 0 : i32
    %dma_start3A_27 = tpu.memref_slice %arg3[%dma_start3A_25, %dma_start3A_26] : memref<100000x128xf32, #tpu.memory_space<hbm>> -> memref<100000x128xf32, #tpu.memory_space<hbm>>
    tpu.enqueue_indirect_dma source(%dma_start3A_27 : memref<100000x128xf32, #tpu.memory_space<hbm>>) target(%dma_start3A_21 : memref<128x128xf32, #tpu.memory_space<vmem>>) offsets(%dma_start3A_24 : memref<128xi32, #tpu.memory_space<vmem>>) semaphore(%arg15 : memref<!tpu.dma_semaphore, #tpu.memory_space<semaphore_mem>>)
    %dma_start3A_28 = arith.constant 1 : i32
    %dma_start3A_29 = arith.constant 1 : i32
    %dma_start3A_30 = arith.constant 0 : i32
    %dma_start3A_31 = arith.constant 0 : i32
    %dma_start3A_32 = tpu.memref_slice %arg10[%dma_start3A_29, %dma_start3A_30, %dma_start3A_31] : memref<2x128x128xf32, #tpu.memory_space<vmem>> -> memref<1x128x128xf32, #tpu.memory_space<vmem>>
    %dma_start3A_33 = tpu.memref_squeeze %dma_start3A_32 : memref<1x128x128xf32, #tpu.memory_space<vmem>> -> memref<128x128xf32, #tpu.memory_space<vmem>>
    %dma_start3A_34 = arith.constant 0 : i32
    %dma_start3A_35 = tpu.memref_slice %arg8[%dma_start3A_28, %dma_start3A_34] : memref<4x128xi32, #tpu.memory_space<vmem>> -> memref<1x128xi32, #tpu.memory_space<vmem>>
    %dma_start3A_36 = tpu.memref_squeeze %dma_start3A_35 : memref<1x128xi32, #tpu.memory_space<vmem>> -> memref<128xi32, #tpu.memory_space<vmem>>
    %dma_start3A_37 = arith.constant 0 : i32
    %dma_start3A_38 = arith.constant 0 : i32
    %dma_start3A_39 = tpu.memref_slice %arg12[%dma_start3A_37, %dma_start3A_38] : memref<1000x128xf32, #tpu.memory_space<vmem_shared>> -> memref<1000x128xf32, #tpu.memory_space<vmem_shared>>
    tpu.enqueue_indirect_dma source(%dma_start3A_39 : memref<1000x128xf32, #tpu.memory_space<vmem_shared>>) target(%dma_start3A_33 : memref<128x128xf32, #tpu.memory_space<vmem>>) offsets(%dma_start3A_36 : memref<128xi32, #tpu.memory_space<vmem>>) semaphore(%arg14 : memref<!tpu.dma_semaphore, #tpu.memory_space<semaphore_mem>>)
    %dma_start3A_40 = arith.constant 1 : i32
    %dma_start3A_41 = arith.constant 1 : i32
    %dma_start3A_42 = arith.constant 0 : i32
    %dma_start3A_43 = arith.constant 0 : i32
    %dma_start3A_44 = tpu.memref_slice %arg11[%dma_start3A_41, %dma_start3A_42, %dma_start3A_43] : memref<2x128x128xf32, #tpu.memory_space<vmem>> -> memref<1x128x128xf32, #tpu.memory_space<vmem>>
    %dma_start3A_45 = tpu.memref_squeeze %dma_start3A_44 : memref<1x128x128xf32, #tpu.memory_space<vmem>> -> memref<128x128xf32, #tpu.memory_space<vmem>>
    %dma_start3A_46 = arith.constant 0 : i32
    %dma_start3A_47 = tpu.memref_slice %arg9[%dma_start3A_40, %dma_start3A_46] : memref<4x128xi32, #tpu.memory_space<vmem>> -> memref<1x128xi32, #tpu.memory_space<vmem>>
    %dma_start3A_48 = tpu.memref_squeeze %dma_start3A_47 : memref<1x128xi32, #tpu.memory_space<vmem>> -> memref<128xi32, #tpu.memory_space<vmem>>
    %dma_start3A_49 = arith.constant 0 : i32
    %dma_start3A_50 = arith.constant 0 : i32
    %dma_start3A_51 = tpu.memref_slice %arg3[%dma_start3A_49, %dma_start3A_50] : memref<100000x128xf32, #tpu.memory_space<hbm>> -> memref<100000x128xf32, #tpu.memory_space<hbm>>
    tpu.enqueue_indirect_dma source(%dma_start3A_51 : memref<100000x128xf32, #tpu.memory_space<hbm>>) target(%dma_start3A_45 : memref<128x128xf32, #tpu.memory_space<vmem>>) offsets(%dma_start3A_48 : memref<128xi32, #tpu.memory_space<vmem>>) semaphore(%arg16 : memref<!tpu.dma_semaphore, #tpu.memory_space<semaphore_mem>>)
    %dma_wait3A = arith.constant 0 : i32
    %dma_wait3A_52 = arith.constant 0 : i32
    %dma_wait3A_53 = arith.constant 0 : i32
    %dma_wait3A_54 = arith.constant 0 : i32
    %dma_wait3A_55 = tpu.memref_slice %arg10[%dma_wait3A_52, %dma_wait3A_53, %dma_wait3A_54] : memref<2x128x128xf32, #tpu.memory_space<vmem>> -> memref<1x128x128xf32, #tpu.memory_space<vmem>>
    %dma_wait3A_56 = tpu.memref_squeeze %dma_wait3A_55 : memref<1x128x128xf32, #tpu.memory_space<vmem>> -> memref<128x128xf32, #tpu.memory_space<vmem>>
    %dma_wait3A_57 = arith.constant 0 : i32
    %dma_wait3A_58 = tpu.memref_slice %arg8[%dma_wait3A, %dma_wait3A_57] : memref<4x128xi32, #tpu.memory_space<vmem>> -> memref<1x128xi32, #tpu.memory_space<vmem>>
    %dma_wait3A_59 = tpu.memref_squeeze %dma_wait3A_58 : memref<1x128xi32, #tpu.memory_space<vmem>> -> memref<128xi32, #tpu.memory_space<vmem>>
    %dma_wait3A_60 = arith.constant 0 : i32
    %dma_wait3A_61 = arith.constant 0 : i32
    %dma_wait3A_62 = tpu.memref_slice %arg12[%dma_wait3A_60, %dma_wait3A_61] : memref<1000x128xf32, #tpu.memory_space<vmem_shared>> -> memref<1000x128xf32, #tpu.memory_space<vmem_shared>>
    tpu.wait_indirect_dma semaphore(%arg13 : memref<!tpu.dma_semaphore, #tpu.memory_space<semaphore_mem>>) src(%dma_wait3A_62 : memref<1000x128xf32, #tpu.memory_space<vmem_shared>>) dst(%dma_wait3A_56 : memref<128x128xf32, #tpu.memory_space<vmem>>)
    %dma_wait3A_63 = arith.constant 0 : i32
    %dma_wait3A_64 = arith.constant 0 : i32
    %dma_wait3A_65 = arith.constant 0 : i32
    %dma_wait3A_66 = arith.constant 0 : i32
    %dma_wait3A_67 = tpu.memref_slice %arg11[%dma_wait3A_64, %dma_wait3A_65, %dma_wait3A_66] : memref<2x128x128xf32, #tpu.memory_space<vmem>> -> memref<1x128x128xf32, #tpu.memory_space<vmem>>
    %dma_wait3A_68 = tpu.memref_squeeze %dma_wait3A_67 : memref<1x128x128xf32, #tpu.memory_space<vmem>> -> memref<128x128xf32, #tpu.memory_space<vmem>>
    %dma_wait3A_69 = arith.constant 0 : i32
    %dma_wait3A_70 = tpu.memref_slice %arg9[%dma_wait3A_63, %dma_wait3A_69] : memref<4x128xi32, #tpu.memory_space<vmem>> -> memref<1x128xi32, #tpu.memory_space<vmem>>
    %dma_wait3A_71 = tpu.memref_squeeze %dma_wait3A_70 : memref<1x128xi32, #tpu.memory_space<vmem>> -> memref<128xi32, #tpu.memory_space<vmem>>
    %dma_wait3A_72 = arith.constant 0 : i32
    %dma_wait3A_73 = arith.constant 0 : i32
    %dma_wait3A_74 = tpu.memref_slice %arg3[%dma_wait3A_72, %dma_wait3A_73] : memref<100000x128xf32, #tpu.memory_space<hbm>> -> memref<100000x128xf32, #tpu.memory_space<hbm>>
    tpu.wait_indirect_dma semaphore(%arg15 : memref<!tpu.dma_semaphore, #tpu.memory_space<semaphore_mem>>) src(%dma_wait3A_74 : memref<100000x128xf32, #tpu.memory_space<hbm>>) dst(%dma_wait3A_68 : memref<128x128xf32, #tpu.memory_space<vmem>>)
    %add3A_75 = arith.constant 0 : i32
    %add3A_76 = arith.addi %mul3A_2, %add3A_75 : i32
    %run_scoped3A = arith.constant 0 : i32
    "tpu.region"() ({
      %run_scoped3A_218 = tpu.sem_alloc : memref<!tpu.dma_semaphore, #tpu.memory_space<semaphore_mem>>
      %dma_start3A_219 = arith.constant 0 : i32
      %dma_start3A_220 = arith.constant 0 : i32
      %dma_start3A_221 = tpu.memref_slice %arg10[%run_scoped3A, %dma_start3A_219, %dma_start3A_220] : memref<2x128x128xf32, #tpu.memory_space<vmem>> -> memref<1x128x128xf32, #tpu.memory_space<vmem>>
      %dma_start3A_222 = tpu.memref_squeeze %dma_start3A_221 : memref<1x128x128xf32, #tpu.memory_space<vmem>> -> memref<128x128xf32, #tpu.memory_space<vmem>>
      %dma_start3A_223 = arith.constant 0 : i32
      %dma_start3A_224 = tpu.memref_slice %arg6[%add3A_76, %dma_start3A_223] : memref<16384x128xf32, #tpu.memory_space<hbm>> -> memref<128x128xf32, #tpu.memory_space<hbm>>
      %dma_start3A_225 = arith.constant 0 : i32
      %dma_start3A_226 = tpu.memref_slice %arg6[%add3A_76, %dma_start3A_225] : memref<16384x128xf32, #tpu.memory_space<hbm>> -> memref<128x128xf32, #tpu.memory_space<hbm>>
      %dma_start3A_227 = arith.constant 0 : i32
      %dma_start3A_228 = arith.constant 0 : i32
      %dma_start3A_229 = tpu.memref_slice %arg10[%run_scoped3A, %dma_start3A_227, %dma_start3A_228] : memref<2x128x128xf32, #tpu.memory_space<vmem>> -> memref<1x128x128xf32, #tpu.memory_space<vmem>>
      %dma_start3A_230 = tpu.memref_squeeze %dma_start3A_229 : memref<1x128x128xf32, #tpu.memory_space<vmem>> -> memref<128x128xf32, #tpu.memory_space<vmem>>
      tpu.enqueue_dma source(%dma_start3A_230 : memref<128x128xf32, #tpu.memory_space<vmem>>) target(%dma_start3A_226 : memref<128x128xf32, #tpu.memory_space<hbm>>) target_semaphore(%run_scoped3A_218 : memref<!tpu.dma_semaphore, #tpu.memory_space<semaphore_mem>>)
      %dma_wait3A_231 = arith.constant 0 : i32
      %dma_wait3A_232 = arith.constant 0 : i32
      %dma_wait3A_233 = tpu.memref_slice %arg10[%run_scoped3A, %dma_wait3A_231, %dma_wait3A_232] : memref<2x128x128xf32, #tpu.memory_space<vmem>> -> memref<1x128x128xf32, #tpu.memory_space<vmem>>
      %dma_wait3A_234 = tpu.memref_squeeze %dma_wait3A_233 : memref<1x128x128xf32, #tpu.memory_space<vmem>> -> memref<128x128xf32, #tpu.memory_space<vmem>>
      %dma_wait3A_235 = arith.constant 0 : i32
      %dma_wait3A_236 = tpu.memref_slice %arg6[%add3A_76, %dma_wait3A_235] : memref<16384x128xf32, #tpu.memory_space<hbm>> -> memref<128x128xf32, #tpu.memory_space<hbm>>
      %dma_wait3A_237 = arith.constant 0 : i32
      %dma_wait3A_238 = tpu.memref_slice %arg6[%add3A_76, %dma_wait3A_237] : memref<16384x128xf32, #tpu.memory_space<hbm>> -> memref<128x128xf32, #tpu.memory_space<hbm>>
      %dma_wait3A_239 = arith.constant 0 : i32
      %dma_wait3A_240 = arith.constant 0 : i32
      %dma_wait3A_241 = tpu.memref_slice %arg10[%run_scoped3A, %dma_wait3A_239, %dma_wait3A_240] : memref<2x128x128xf32, #tpu.memory_space<vmem>> -> memref<1x128x128xf32, #tpu.memory_space<vmem>>
      %dma_wait3A_242 = tpu.memref_squeeze %dma_wait3A_241 : memref<1x128x128xf32, #tpu.memory_space<vmem>> -> memref<128x128xf32, #tpu.memory_space<vmem>>
      tpu.wait_dma2 semaphore(%run_scoped3A_218 : memref<!tpu.dma_semaphore, #tpu.memory_space<semaphore_mem>>) src(%dma_wait3A_242 : memref<128x128xf32, #tpu.memory_space<vmem>>) dst(%dma_wait3A_238 : memref<128x128xf32, #tpu.memory_space<hbm>>)
      tpu.yield
    }) : () -> ()
    %add3A_77 = arith.constant 0 : i32
    %add3A_78 = arith.addi %mul3A_2, %add3A_77 : i32
    %run_scoped3A_79 = arith.constant 0 : i32
    "tpu.region"() ({
      %run_scoped3A_218 = tpu.sem_alloc : memref<!tpu.dma_semaphore, #tpu.memory_space<semaphore_mem>>
      %dma_start3A_219 = arith.constant 0 : i32
      %dma_start3A_220 = arith.constant 0 : i32
      %dma_start3A_221 = tpu.memref_slice %arg11[%run_scoped3A_79, %dma_start3A_219, %dma_start3A_220] : memref<2x128x128xf32, #tpu.memory_space<vmem>> -> memref<1x128x128xf32, #tpu.memory_space<vmem>>
      %dma_start3A_222 = tpu.memref_squeeze %dma_start3A_221 : memref<1x128x128xf32, #tpu.memory_space<vmem>> -> memref<128x128xf32, #tpu.memory_space<vmem>>
      %dma_start3A_223 = arith.constant 0 : i32
      %dma_start3A_224 = tpu.memref_slice %arg7[%add3A_78, %dma_start3A_223] : memref<16384x128xf32, #tpu.memory_space<hbm>> -> memref<128x128xf32, #tpu.memory_space<hbm>>
      %dma_start3A_225 = arith.constant 0 : i32
      %dma_start3A_226 = tpu.memref_slice %arg7[%add3A_78, %dma_start3A_225] : memref<16384x128xf32, #tpu.memory_space<hbm>> -> memref<128x128xf32, #tpu.memory_space<hbm>>
      %dma_start3A_227 = arith.constant 0 : i32
      %dma_start3A_228 = arith.constant 0 : i32
      %dma_start3A_229 = tpu.memref_slice %arg11[%run_scoped3A_79, %dma_start3A_227, %dma_start3A_228] : memref<2x128x128xf32, #tpu.memory_space<vmem>> -> memref<1x128x128xf32, #tpu.memory_space<vmem>>
      %dma_start3A_230 = tpu.memref_squeeze %dma_start3A_229 : memref<1x128x128xf32, #tpu.memory_space<vmem>> -> memref<128x128xf32, #tpu.memory_space<vmem>>
      tpu.enqueue_dma source(%dma_start3A_230 : memref<128x128xf32, #tpu.memory_space<vmem>>) target(%dma_start3A_226 : memref<128x128xf32, #tpu.memory_space<hbm>>) target_semaphore(%run_scoped3A_218 : memref<!tpu.dma_semaphore, #tpu.memory_space<semaphore_mem>>)
      %dma_wait3A_231 = arith.constant 0 : i32
      %dma_wait3A_232 = arith.constant 0 : i32
      %dma_wait3A_233 = tpu.memref_slice %arg11[%run_scoped3A_79, %dma_wait3A_231, %dma_wait3A_232] : memref<2x128x128xf32, #tpu.memory_space<vmem>> -> memref<1x128x128xf32, #tpu.memory_space<vmem>>
      %dma_wait3A_234 = tpu.memref_squeeze %dma_wait3A_233 : memref<1x128x128xf32, #tpu.memory_space<vmem>> -> memref<128x128xf32, #tpu.memory_space<vmem>>
      %dma_wait3A_235 = arith.constant 0 : i32
      %dma_wait3A_236 = tpu.memref_slice %arg7[%add3A_78, %dma_wait3A_235] : memref<16384x128xf32, #tpu.memory_space<hbm>> -> memref<128x128xf32, #tpu.memory_space<hbm>>
      %dma_wait3A_237 = arith.constant 0 : i32
      %dma_wait3A_238 = tpu.memref_slice %arg7[%add3A_78, %dma_wait3A_237] : memref<16384x128xf32, #tpu.memory_space<hbm>> -> memref<128x128xf32, #tpu.memory_space<hbm>>
      %dma_wait3A_239 = arith.constant 0 : i32
      %dma_wait3A_240 = arith.constant 0 : i32
      %dma_wait3A_241 = tpu.memref_slice %arg11[%run_scoped3A_79, %dma_wait3A_239, %dma_wait3A_240] : memref<2x128x128xf32, #tpu.memory_space<vmem>> -> memref<1x128x128xf32, #tpu.memory_space<vmem>>
      %dma_wait3A_242 = tpu.memref_squeeze %dma_wait3A_241 : memref<1x128x128xf32, #tpu.memory_space<vmem>> -> memref<128x128xf32, #tpu.memory_space<vmem>>
      tpu.wait_dma2 semaphore(%run_scoped3A_218 : memref<!tpu.dma_semaphore, #tpu.memory_space<semaphore_mem>>) src(%dma_wait3A_242 : memref<128x128xf32, #tpu.memory_space<vmem>>) dst(%dma_wait3A_238 : memref<128x128xf32, #tpu.memory_space<hbm>>)
      tpu.yield
    }) : () -> ()
    %dma_start3A_80 = arith.constant 2 : i32
    %dma_start3A_81 = arith.constant 0 : i32
    %dma_start3A_82 = arith.constant 0 : i32
    %dma_start3A_83 = arith.constant 0 : i32
    %dma_start3A_84 = tpu.memref_slice %arg10[%dma_start3A_81, %dma_start3A_82, %dma_start3A_83] : memref<2x128x128xf32, #tpu.memory_space<vmem>> -> memref<1x128x128xf32, #tpu.memory_space<vmem>>
    %dma_start3A_85 = tpu.memref_squeeze %dma_start3A_84 : memref<1x128x128xf32, #tpu.memory_space<vmem>> -> memref<128x128xf32, #tpu.memory_space<vmem>>
    %dma_start3A_86 = arith.constant 0 : i32
    %dma_start3A_87 = tpu.memref_slice %arg8[%dma_start3A_80, %dma_start3A_86] : memref<4x128xi32, #tpu.memory_space<vmem>> -> memref<1x128xi32, #tpu.memory_space<vmem>>
    %dma_start3A_88 = tpu.memref_squeeze %dma_start3A_87 : memref<1x128xi32, #tpu.memory_space<vmem>> -> memref<128xi32, #tpu.memory_space<vmem>>
    %dma_start3A_89 = arith.constant 0 : i32
    %dma_start3A_90 = arith.constant 0 : i32
    %dma_start3A_91 = tpu.memref_slice %arg12[%dma_start3A_89, %dma_start3A_90] : memref<1000x128xf32, #tpu.memory_space<vmem_shared>> -> memref<1000x128xf32, #tpu.memory_space<vmem_shared>>
    tpu.enqueue_indirect_dma source(%dma_start3A_91 : memref<1000x128xf32, #tpu.memory_space<vmem_shared>>) target(%dma_start3A_85 : memref<128x128xf32, #tpu.memory_space<vmem>>) offsets(%dma_start3A_88 : memref<128xi32, #tpu.memory_space<vmem>>) semaphore(%arg13 : memref<!tpu.dma_semaphore, #tpu.memory_space<semaphore_mem>>)
    %dma_start3A_92 = arith.constant 2 : i32
    %dma_start3A_93 = arith.constant 0 : i32
    %dma_start3A_94 = arith.constant 0 : i32
    %dma_start3A_95 = arith.constant 0 : i32
    %dma_start3A_96 = tpu.memref_slice %arg11[%dma_start3A_93, %dma_start3A_94, %dma_start3A_95] : memref<2x128x128xf32, #tpu.memory_space<vmem>> -> memref<1x128x128xf32, #tpu.memory_space<vmem>>
    %dma_start3A_97 = tpu.memref_squeeze %dma_start3A_96 : memref<1x128x128xf32, #tpu.memory_space<vmem>> -> memref<128x128xf32, #tpu.memory_space<vmem>>
    %dma_start3A_98 = arith.constant 0 : i32
    %dma_start3A_99 = tpu.memref_slice %arg9[%dma_start3A_92, %dma_start3A_98] : memref<4x128xi32, #tpu.memory_space<vmem>> -> memref<1x128xi32, #tpu.memory_space<vmem>>
    %dma_start3A_100 = tpu.memref_squeeze %dma_start3A_99 : memref<1x128xi32, #tpu.memory_space<vmem>> -> memref<128xi32, #tpu.memory_space<vmem>>
    %dma_start3A_101 = arith.constant 0 : i32
    %dma_start3A_102 = arith.constant 0 : i32
    %dma_start3A_103 = tpu.memref_slice %arg3[%dma_start3A_101, %dma_start3A_102] : memref<100000x128xf32, #tpu.memory_space<hbm>> -> memref<100000x128xf32, #tpu.memory_space<hbm>>
    tpu.enqueue_indirect_dma source(%dma_start3A_103 : memref<100000x128xf32, #tpu.memory_space<hbm>>) target(%dma_start3A_97 : memref<128x128xf32, #tpu.memory_space<vmem>>) offsets(%dma_start3A_100 : memref<128xi32, #tpu.memory_space<vmem>>) semaphore(%arg15 : memref<!tpu.dma_semaphore, #tpu.memory_space<semaphore_mem>>)
    %dma_wait3A_104 = arith.constant 1 : i32
    %dma_wait3A_105 = arith.constant 1 : i32
    %dma_wait3A_106 = arith.constant 0 : i32
    %dma_wait3A_107 = arith.constant 0 : i32
    %dma_wait3A_108 = tpu.memref_slice %arg10[%dma_wait3A_105, %dma_wait3A_106, %dma_wait3A_107] : memref<2x128x128xf32, #tpu.memory_space<vmem>> -> memref<1x128x128xf32, #tpu.memory_space<vmem>>
    %dma_wait3A_109 = tpu.memref_squeeze %dma_wait3A_108 : memref<1x128x128xf32, #tpu.memory_space<vmem>> -> memref<128x128xf32, #tpu.memory_space<vmem>>
    %dma_wait3A_110 = arith.constant 0 : i32
    %dma_wait3A_111 = tpu.memref_slice %arg8[%dma_wait3A_104, %dma_wait3A_110] : memref<4x128xi32, #tpu.memory_space<vmem>> -> memref<1x128xi32, #tpu.memory_space<vmem>>
    %dma_wait3A_112 = tpu.memref_squeeze %dma_wait3A_111 : memref<1x128xi32, #tpu.memory_space<vmem>> -> memref<128xi32, #tpu.memory_space<vmem>>
    %dma_wait3A_113 = arith.constant 0 : i32
    %dma_wait3A_114 = arith.constant 0 : i32
    %dma_wait3A_115 = tpu.memref_slice %arg12[%dma_wait3A_113, %dma_wait3A_114] : memref<1000x128xf32, #tpu.memory_space<vmem_shared>> -> memref<1000x128xf32, #tpu.memory_space<vmem_shared>>
    tpu.wait_indirect_dma semaphore(%arg14 : memref<!tpu.dma_semaphore, #tpu.memory_space<semaphore_mem>>) src(%dma_wait3A_115 : memref<1000x128xf32, #tpu.memory_space<vmem_shared>>) dst(%dma_wait3A_109 : memref<128x128xf32, #tpu.memory_space<vmem>>)
    %dma_wait3A_116 = arith.constant 1 : i32
    %dma_wait3A_117 = arith.constant 1 : i32
    %dma_wait3A_118 = arith.constant 0 : i32
    %dma_wait3A_119 = arith.constant 0 : i32
    %dma_wait3A_120 = tpu.memref_slice %arg11[%dma_wait3A_117, %dma_wait3A_118, %dma_wait3A_119] : memref<2x128x128xf32, #tpu.memory_space<vmem>> -> memref<1x128x128xf32, #tpu.memory_space<vmem>>
    %dma_wait3A_121 = tpu.memref_squeeze %dma_wait3A_120 : memref<1x128x128xf32, #tpu.memory_space<vmem>> -> memref<128x128xf32, #tpu.memory_space<vmem>>
    %dma_wait3A_122 = arith.constant 0 : i32
    %dma_wait3A_123 = tpu.memref_slice %arg9[%dma_wait3A_116, %dma_wait3A_122] : memref<4x128xi32, #tpu.memory_space<vmem>> -> memref<1x128xi32, #tpu.memory_space<vmem>>
    %dma_wait3A_124 = tpu.memref_squeeze %dma_wait3A_123 : memref<1x128xi32, #tpu.memory_space<vmem>> -> memref<128xi32, #tpu.memory_space<vmem>>
    %dma_wait3A_125 = arith.constant 0 : i32
    %dma_wait3A_126 = arith.constant 0 : i32
    %dma_wait3A_127 = tpu.memref_slice %arg3[%dma_wait3A_125, %dma_wait3A_126] : memref<100000x128xf32, #tpu.memory_space<hbm>> -> memref<100000x128xf32, #tpu.memory_space<hbm>>
    tpu.wait_indirect_dma semaphore(%arg16 : memref<!tpu.dma_semaphore, #tpu.memory_space<semaphore_mem>>) src(%dma_wait3A_127 : memref<100000x128xf32, #tpu.memory_space<hbm>>) dst(%dma_wait3A_121 : memref<128x128xf32, #tpu.memory_space<vmem>>)
    %add3A_128 = arith.constant 128 : i32
    %add3A_129 = arith.addi %mul3A_2, %add3A_128 : i32
    %run_scoped3A_130 = arith.constant 1 : i32
    "tpu.region"() ({
      %run_scoped3A_218 = tpu.sem_alloc : memref<!tpu.dma_semaphore, #tpu.memory_space<semaphore_mem>>
      %dma_start3A_219 = arith.constant 0 : i32
      %dma_start3A_220 = arith.constant 0 : i32
      %dma_start3A_221 = tpu.memref_slice %arg10[%run_scoped3A_130, %dma_start3A_219, %dma_start3A_220] : memref<2x128x128xf32, #tpu.memory_space<vmem>> -> memref<1x128x128xf32, #tpu.memory_space<vmem>>
      %dma_start3A_222 = tpu.memref_squeeze %dma_start3A_221 : memref<1x128x128xf32, #tpu.memory_space<vmem>> -> memref<128x128xf32, #tpu.memory_space<vmem>>
      %dma_start3A_223 = arith.constant 0 : i32
      %dma_start3A_224 = tpu.memref_slice %arg6[%add3A_129, %dma_start3A_223] : memref<16384x128xf32, #tpu.memory_space<hbm>> -> memref<128x128xf32, #tpu.memory_space<hbm>>
      %dma_start3A_225 = arith.constant 0 : i32
      %dma_start3A_226 = tpu.memref_slice %arg6[%add3A_129, %dma_start3A_225] : memref<16384x128xf32, #tpu.memory_space<hbm>> -> memref<128x128xf32, #tpu.memory_space<hbm>>
      %dma_start3A_227 = arith.constant 0 : i32
      %dma_start3A_228 = arith.constant 0 : i32
      %dma_start3A_229 = tpu.memref_slice %arg10[%run_scoped3A_130, %dma_start3A_227, %dma_start3A_228] : memref<2x128x128xf32, #tpu.memory_space<vmem>> -> memref<1x128x128xf32, #tpu.memory_space<vmem>>
      %dma_start3A_230 = tpu.memref_squeeze %dma_start3A_229 : memref<1x128x128xf32, #tpu.memory_space<vmem>> -> memref<128x128xf32, #tpu.memory_space<vmem>>
      tpu.enqueue_dma source(%dma_start3A_230 : memref<128x128xf32, #tpu.memory_space<vmem>>) target(%dma_start3A_226 : memref<128x128xf32, #tpu.memory_space<hbm>>) target_semaphore(%run_scoped3A_218 : memref<!tpu.dma_semaphore, #tpu.memory_space<semaphore_mem>>)
      %dma_wait3A_231 = arith.constant 0 : i32
      %dma_wait3A_232 = arith.constant 0 : i32
      %dma_wait3A_233 = tpu.memref_slice %arg10[%run_scoped3A_130, %dma_wait3A_231, %dma_wait3A_232] : memref<2x128x128xf32, #tpu.memory_space<vmem>> -> memref<1x128x128xf32, #tpu.memory_space<vmem>>
      %dma_wait3A_234 = tpu.memref_squeeze %dma_wait3A_233 : memref<1x128x128xf32, #tpu.memory_space<vmem>> -> memref<128x128xf32, #tpu.memory_space<vmem>>
      %dma_wait3A_235 = arith.constant 0 : i32
      %dma_wait3A_236 = tpu.memref_slice %arg6[%add3A_129, %dma_wait3A_235] : memref<16384x128xf32, #tpu.memory_space<hbm>> -> memref<128x128xf32, #tpu.memory_space<hbm>>
      %dma_wait3A_237 = arith.constant 0 : i32
      %dma_wait3A_238 = tpu.memref_slice %arg6[%add3A_129, %dma_wait3A_237] : memref<16384x128xf32, #tpu.memory_space<hbm>> -> memref<128x128xf32, #tpu.memory_space<hbm>>
      %dma_wait3A_239 = arith.constant 0 : i32
      %dma_wait3A_240 = arith.constant 0 : i32
      %dma_wait3A_241 = tpu.memref_slice %arg10[%run_scoped3A_130, %dma_wait3A_239, %dma_wait3A_240] : memref<2x128x128xf32, #tpu.memory_space<vmem>> -> memref<1x128x128xf32, #tpu.memory_space<vmem>>
      %dma_wait3A_242 = tpu.memref_squeeze %dma_wait3A_241 : memref<1x128x128xf32, #tpu.memory_space<vmem>> -> memref<128x128xf32, #tpu.memory_space<vmem>>
      tpu.wait_dma2 semaphore(%run_scoped3A_218 : memref<!tpu.dma_semaphore, #tpu.memory_space<semaphore_mem>>) src(%dma_wait3A_242 : memref<128x128xf32, #tpu.memory_space<vmem>>) dst(%dma_wait3A_238 : memref<128x128xf32, #tpu.memory_space<hbm>>)
      tpu.yield
    }) : () -> ()
    %add3A_131 = arith.constant 128 : i32
    %add3A_132 = arith.addi %mul3A_2, %add3A_131 : i32
    %run_scoped3A_133 = arith.constant 1 : i32
    "tpu.region"() ({
      %run_scoped3A_218 = tpu.sem_alloc : memref<!tpu.dma_semaphore, #tpu.memory_space<semaphore_mem>>
      %dma_start3A_219 = arith.constant 0 : i32
      %dma_start3A_220 = arith.constant 0 : i32
      %dma_start3A_221 = tpu.memref_slice %arg11[%run_scoped3A_133, %dma_start3A_219, %dma_start3A_220] : memref<2x128x128xf32, #tpu.memory_space<vmem>> -> memref<1x128x128xf32, #tpu.memory_space<vmem>>
      %dma_start3A_222 = tpu.memref_squeeze %dma_start3A_221 : memref<1x128x128xf32, #tpu.memory_space<vmem>> -> memref<128x128xf32, #tpu.memory_space<vmem>>
      %dma_start3A_223 = arith.constant 0 : i32
      %dma_start3A_224 = tpu.memref_slice %arg7[%add3A_132, %dma_start3A_223] : memref<16384x128xf32, #tpu.memory_space<hbm>> -> memref<128x128xf32, #tpu.memory_space<hbm>>
      %dma_start3A_225 = arith.constant 0 : i32
      %dma_start3A_226 = tpu.memref_slice %arg7[%add3A_132, %dma_start3A_225] : memref<16384x128xf32, #tpu.memory_space<hbm>> -> memref<128x128xf32, #tpu.memory_space<hbm>>
      %dma_start3A_227 = arith.constant 0 : i32
      %dma_start3A_228 = arith.constant 0 : i32
      %dma_start3A_229 = tpu.memref_slice %arg11[%run_scoped3A_133, %dma_start3A_227, %dma_start3A_228] : memref<2x128x128xf32, #tpu.memory_space<vmem>> -> memref<1x128x128xf32, #tpu.memory_space<vmem>>
      %dma_start3A_230 = tpu.memref_squeeze %dma_start3A_229 : memref<1x128x128xf32, #tpu.memory_space<vmem>> -> memref<128x128xf32, #tpu.memory_space<vmem>>
      tpu.enqueue_dma source(%dma_start3A_230 : memref<128x128xf32, #tpu.memory_space<vmem>>) target(%dma_start3A_226 : memref<128x128xf32, #tpu.memory_space<hbm>>) target_semaphore(%run_scoped3A_218 : memref<!tpu.dma_semaphore, #tpu.memory_space<semaphore_mem>>)
      %dma_wait3A_231 = arith.constant 0 : i32
      %dma_wait3A_232 = arith.constant 0 : i32
      %dma_wait3A_233 = tpu.memref_slice %arg11[%run_scoped3A_133, %dma_wait3A_231, %dma_wait3A_232] : memref<2x128x128xf32, #tpu.memory_space<vmem>> -> memref<1x128x128xf32, #tpu.memory_space<vmem>>
      %dma_wait3A_234 = tpu.memref_squeeze %dma_wait3A_233 : memref<1x128x128xf32, #tpu.memory_space<vmem>> -> memref<128x128xf32, #tpu.memory_space<vmem>>
      %dma_wait3A_235 = arith.constant 0 : i32
      %dma_wait3A_236 = tpu.memref_slice %arg7[%add3A_132, %dma_wait3A_235] : memref<16384x128xf32, #tpu.memory_space<hbm>> -> memref<128x128xf32, #tpu.memory_space<hbm>>
      %dma_wait3A_237 = arith.constant 0 : i32
      %dma_wait3A_238 = tpu.memref_slice %arg7[%add3A_132, %dma_wait3A_237] : memref<16384x128xf32, #tpu.memory_space<hbm>> -> memref<128x128xf32, #tpu.memory_space<hbm>>
      %dma_wait3A_239 = arith.constant 0 : i32
      %dma_wait3A_240 = arith.constant 0 : i32
      %dma_wait3A_241 = tpu.memref_slice %arg11[%run_scoped3A_133, %dma_wait3A_239, %dma_wait3A_240] : memref<2x128x128xf32, #tpu.memory_space<vmem>> -> memref<1x128x128xf32, #tpu.memory_space<vmem>>
      %dma_wait3A_242 = tpu.memref_squeeze %dma_wait3A_241 : memref<1x128x128xf32, #tpu.memory_space<vmem>> -> memref<128x128xf32, #tpu.memory_space<vmem>>
      tpu.wait_dma2 semaphore(%run_scoped3A_218 : memref<!tpu.dma_semaphore, #tpu.memory_space<semaphore_mem>>) src(%dma_wait3A_242 : memref<128x128xf32, #tpu.memory_space<vmem>>) dst(%dma_wait3A_238 : memref<128x128xf32, #tpu.memory_space<hbm>>)
      tpu.yield
    }) : () -> ()
    %dma_start3A_134 = arith.constant 3 : i32
    %dma_start3A_135 = arith.constant 1 : i32
    %dma_start3A_136 = arith.constant 0 : i32
    %dma_start3A_137 = arith.constant 0 : i32
    %dma_start3A_138 = tpu.memref_slice %arg10[%dma_start3A_135, %dma_start3A_136, %dma_start3A_137] : memref<2x128x128xf32, #tpu.memory_space<vmem>> -> memref<1x128x128xf32, #tpu.memory_space<vmem>>
    %dma_start3A_139 = tpu.memref_squeeze %dma_start3A_138 : memref<1x128x128xf32, #tpu.memory_space<vmem>> -> memref<128x128xf32, #tpu.memory_space<vmem>>
    %dma_start3A_140 = arith.constant 0 : i32
    %dma_start3A_141 = tpu.memref_slice %arg8[%dma_start3A_134, %dma_start3A_140] : memref<4x128xi32, #tpu.memory_space<vmem>> -> memref<1x128xi32, #tpu.memory_space<vmem>>
    %dma_start3A_142 = tpu.memref_squeeze %dma_start3A_141 : memref<1x128xi32, #tpu.memory_space<vmem>> -> memref<128xi32, #tpu.memory_space<vmem>>
    %dma_start3A_143 = arith.constant 0 : i32
    %dma_start3A_144 = arith.constant 0 : i32
    %dma_start3A_145 = tpu.memref_slice %arg12[%dma_start3A_143, %dma_start3A_144] : memref<1000x128xf32, #tpu.memory_space<vmem_shared>> -> memref<1000x128xf32, #tpu.memory_space<vmem_shared>>
    tpu.enqueue_indirect_dma source(%dma_start3A_145 : memref<1000x128xf32, #tpu.memory_space<vmem_shared>>) target(%dma_start3A_139 : memref<128x128xf32, #tpu.memory_space<vmem>>) offsets(%dma_start3A_142 : memref<128xi32, #tpu.memory_space<vmem>>) semaphore(%arg14 : memref<!tpu.dma_semaphore, #tpu.memory_space<semaphore_mem>>)
    %dma_start3A_146 = arith.constant 3 : i32
    %dma_start3A_147 = arith.constant 1 : i32
    %dma_start3A_148 = arith.constant 0 : i32
    %dma_start3A_149 = arith.constant 0 : i32
    %dma_start3A_150 = tpu.memref_slice %arg11[%dma_start3A_147, %dma_start3A_148, %dma_start3A_149] : memref<2x128x128xf32, #tpu.memory_space<vmem>> -> memref<1x128x128xf32, #tpu.memory_space<vmem>>
    %dma_start3A_151 = tpu.memref_squeeze %dma_start3A_150 : memref<1x128x128xf32, #tpu.memory_space<vmem>> -> memref<128x128xf32, #tpu.memory_space<vmem>>
    %dma_start3A_152 = arith.constant 0 : i32
    %dma_start3A_153 = tpu.memref_slice %arg9[%dma_start3A_146, %dma_start3A_152] : memref<4x128xi32, #tpu.memory_space<vmem>> -> memref<1x128xi32, #tpu.memory_space<vmem>>
    %dma_start3A_154 = tpu.memref_squeeze %dma_start3A_153 : memref<1x128xi32, #tpu.memory_space<vmem>> -> memref<128xi32, #tpu.memory_space<vmem>>
    %dma_start3A_155 = arith.constant 0 : i32
    %dma_start3A_156 = arith.constant 0 : i32
    %dma_start3A_157 = tpu.memref_slice %arg3[%dma_start3A_155, %dma_start3A_156] : memref<100000x128xf32, #tpu.memory_space<hbm>> -> memref<100000x128xf32, #tpu.memory_space<hbm>>
    tpu.enqueue_indirect_dma source(%dma_start3A_157 : memref<100000x128xf32, #tpu.memory_space<hbm>>) target(%dma_start3A_151 : memref<128x128xf32, #tpu.memory_space<vmem>>) offsets(%dma_start3A_154 : memref<128xi32, #tpu.memory_space<vmem>>) semaphore(%arg16 : memref<!tpu.dma_semaphore, #tpu.memory_space<semaphore_mem>>)
    %dma_wait3A_158 = arith.constant 2 : i32
    %dma_wait3A_159 = arith.constant 0 : i32
    %dma_wait3A_160 = arith.constant 0 : i32
    %dma_wait3A_161 = arith.constant 0 : i32
    %dma_wait3A_162 = tpu.memref_slice %arg10[%dma_wait3A_159, %dma_wait3A_160, %dma_wait3A_161] : memref<2x128x128xf32, #tpu.memory_space<vmem>> -> memref<1x128x128xf32, #tpu.memory_space<vmem>>
    %dma_wait3A_163 = tpu.memref_squeeze %dma_wait3A_162 : memref<1x128x128xf32, #tpu.memory_space<vmem>> -> memref<128x128xf32, #tpu.memory_space<vmem>>
    %dma_wait3A_164 = arith.constant 0 : i32
    %dma_wait3A_165 = tpu.memref_slice %arg8[%dma_wait3A_158, %dma_wait3A_164] : memref<4x128xi32, #tpu.memory_space<vmem>> -> memref<1x128xi32, #tpu.memory_space<vmem>>
    %dma_wait3A_166 = tpu.memref_squeeze %dma_wait3A_165 : memref<1x128xi32, #tpu.memory_space<vmem>> -> memref<128xi32, #tpu.memory_space<vmem>>
    %dma_wait3A_167 = arith.constant 0 : i32
    %dma_wait3A_168 = arith.constant 0 : i32
    %dma_wait3A_169 = tpu.memref_slice %arg12[%dma_wait3A_167, %dma_wait3A_168] : memref<1000x128xf32, #tpu.memory_space<vmem_shared>> -> memref<1000x128xf32, #tpu.memory_space<vmem_shared>>
    tpu.wait_indirect_dma semaphore(%arg13 : memref<!tpu.dma_semaphore, #tpu.memory_space<semaphore_mem>>) src(%dma_wait3A_169 : memref<1000x128xf32, #tpu.memory_space<vmem_shared>>) dst(%dma_wait3A_163 : memref<128x128xf32, #tpu.memory_space<vmem>>)
    %dma_wait3A_170 = arith.constant 2 : i32
    %dma_wait3A_171 = arith.constant 0 : i32
    %dma_wait3A_172 = arith.constant 0 : i32
    %dma_wait3A_173 = arith.constant 0 : i32
    %dma_wait3A_174 = tpu.memref_slice %arg11[%dma_wait3A_171, %dma_wait3A_172, %dma_wait3A_173] : memref<2x128x128xf32, #tpu.memory_space<vmem>> -> memref<1x128x128xf32, #tpu.memory_space<vmem>>
    %dma_wait3A_175 = tpu.memref_squeeze %dma_wait3A_174 : memref<1x128x128xf32, #tpu.memory_space<vmem>> -> memref<128x128xf32, #tpu.memory_space<vmem>>
    %dma_wait3A_176 = arith.constant 0 : i32
    %dma_wait3A_177 = tpu.memref_slice %arg9[%dma_wait3A_170, %dma_wait3A_176] : memref<4x128xi32, #tpu.memory_space<vmem>> -> memref<1x128xi32, #tpu.memory_space<vmem>>
    %dma_wait3A_178 = tpu.memref_squeeze %dma_wait3A_177 : memref<1x128xi32, #tpu.memory_space<vmem>> -> memref<128xi32, #tpu.memory_space<vmem>>
    %dma_wait3A_179 = arith.constant 0 : i32
    %dma_wait3A_180 = arith.constant 0 : i32
    %dma_wait3A_181 = tpu.memref_slice %arg3[%dma_wait3A_179, %dma_wait3A_180] : memref<100000x128xf32, #tpu.memory_space<hbm>> -> memref<100000x128xf32, #tpu.memory_space<hbm>>
    tpu.wait_indirect_dma semaphore(%arg15 : memref<!tpu.dma_semaphore, #tpu.memory_space<semaphore_mem>>) src(%dma_wait3A_181 : memref<100000x128xf32, #tpu.memory_space<hbm>>) dst(%dma_wait3A_175 : memref<128x128xf32, #tpu.memory_space<vmem>>)
    %add3A_182 = arith.constant 256 : i32
    %add3A_183 = arith.addi %mul3A_2, %add3A_182 : i32
    %run_scoped3A_184 = arith.constant 0 : i32
    "tpu.region"() ({
      %run_scoped3A_218 = tpu.sem_alloc : memref<!tpu.dma_semaphore, #tpu.memory_space<semaphore_mem>>
      %dma_start3A_219 = arith.constant 0 : i32
      %dma_start3A_220 = arith.constant 0 : i32
      %dma_start3A_221 = tpu.memref_slice %arg10[%run_scoped3A_184, %dma_start3A_219, %dma_start3A_220] : memref<2x128x128xf32, #tpu.memory_space<vmem>> -> memref<1x128x128xf32, #tpu.memory_space<vmem>>
      %dma_start3A_222 = tpu.memref_squeeze %dma_start3A_221 : memref<1x128x128xf32, #tpu.memory_space<vmem>> -> memref<128x128xf32, #tpu.memory_space<vmem>>
      %dma_start3A_223 = arith.constant 0 : i32
      %dma_start3A_224 = tpu.memref_slice %arg6[%add3A_183, %dma_start3A_223] : memref<16384x128xf32, #tpu.memory_space<hbm>> -> memref<128x128xf32, #tpu.memory_space<hbm>>
      %dma_start3A_225 = arith.constant 0 : i32
      %dma_start3A_226 = tpu.memref_slice %arg6[%add3A_183, %dma_start3A_225] : memref<16384x128xf32, #tpu.memory_space<hbm>> -> memref<128x128xf32, #tpu.memory_space<hbm>>
      %dma_start3A_227 = arith.constant 0 : i32
      %dma_start3A_228 = arith.constant 0 : i32
      %dma_start3A_229 = tpu.memref_slice %arg10[%run_scoped3A_184, %dma_start3A_227, %dma_start3A_228] : memref<2x128x128xf32, #tpu.memory_space<vmem>> -> memref<1x128x128xf32, #tpu.memory_space<vmem>>
      %dma_start3A_230 = tpu.memref_squeeze %dma_start3A_229 : memref<1x128x128xf32, #tpu.memory_space<vmem>> -> memref<128x128xf32, #tpu.memory_space<vmem>>
      tpu.enqueue_dma source(%dma_start3A_230 : memref<128x128xf32, #tpu.memory_space<vmem>>) target(%dma_start3A_226 : memref<128x128xf32, #tpu.memory_space<hbm>>) target_semaphore(%run_scoped3A_218 : memref<!tpu.dma_semaphore, #tpu.memory_space<semaphore_mem>>)
      %dma_wait3A_231 = arith.constant 0 : i32
      %dma_wait3A_232 = arith.constant 0 : i32
      %dma_wait3A_233 = tpu.memref_slice %arg10[%run_scoped3A_184, %dma_wait3A_231, %dma_wait3A_232] : memref<2x128x128xf32, #tpu.memory_space<vmem>> -> memref<1x128x128xf32, #tpu.memory_space<vmem>>
      %dma_wait3A_234 = tpu.memref_squeeze %dma_wait3A_233 : memref<1x128x128xf32, #tpu.memory_space<vmem>> -> memref<128x128xf32, #tpu.memory_space<vmem>>
      %dma_wait3A_235 = arith.constant 0 : i32
      %dma_wait3A_236 = tpu.memref_slice %arg6[%add3A_183, %dma_wait3A_235] : memref<16384x128xf32, #tpu.memory_space<hbm>> -> memref<128x128xf32, #tpu.memory_space<hbm>>
      %dma_wait3A_237 = arith.constant 0 : i32
      %dma_wait3A_238 = tpu.memref_slice %arg6[%add3A_183, %dma_wait3A_237] : memref<16384x128xf32, #tpu.memory_space<hbm>> -> memref<128x128xf32, #tpu.memory_space<hbm>>
      %dma_wait3A_239 = arith.constant 0 : i32
      %dma_wait3A_240 = arith.constant 0 : i32
      %dma_wait3A_241 = tpu.memref_slice %arg10[%run_scoped3A_184, %dma_wait3A_239, %dma_wait3A_240] : memref<2x128x128xf32, #tpu.memory_space<vmem>> -> memref<1x128x128xf32, #tpu.memory_space<vmem>>
      %dma_wait3A_242 = tpu.memref_squeeze %dma_wait3A_241 : memref<1x128x128xf32, #tpu.memory_space<vmem>> -> memref<128x128xf32, #tpu.memory_space<vmem>>
      tpu.wait_dma2 semaphore(%run_scoped3A_218 : memref<!tpu.dma_semaphore, #tpu.memory_space<semaphore_mem>>) src(%dma_wait3A_242 : memref<128x128xf32, #tpu.memory_space<vmem>>) dst(%dma_wait3A_238 : memref<128x128xf32, #tpu.memory_space<hbm>>)
      tpu.yield
    }) : () -> ()
    %add3A_185 = arith.constant 256 : i32
    %add3A_186 = arith.addi %mul3A_2, %add3A_185 : i32
    %run_scoped3A_187 = arith.constant 0 : i32
    "tpu.region"() ({
      %run_scoped3A_218 = tpu.sem_alloc : memref<!tpu.dma_semaphore, #tpu.memory_space<semaphore_mem>>
      %dma_start3A_219 = arith.constant 0 : i32
      %dma_start3A_220 = arith.constant 0 : i32
      %dma_start3A_221 = tpu.memref_slice %arg11[%run_scoped3A_187, %dma_start3A_219, %dma_start3A_220] : memref<2x128x128xf32, #tpu.memory_space<vmem>> -> memref<1x128x128xf32, #tpu.memory_space<vmem>>
      %dma_start3A_222 = tpu.memref_squeeze %dma_start3A_221 : memref<1x128x128xf32, #tpu.memory_space<vmem>> -> memref<128x128xf32, #tpu.memory_space<vmem>>
      %dma_start3A_223 = arith.constant 0 : i32
      %dma_start3A_224 = tpu.memref_slice %arg7[%add3A_186, %dma_start3A_223] : memref<16384x128xf32, #tpu.memory_space<hbm>> -> memref<128x128xf32, #tpu.memory_space<hbm>>
      %dma_start3A_225 = arith.constant 0 : i32
      %dma_start3A_226 = tpu.memref_slice %arg7[%add3A_186, %dma_start3A_225] : memref<16384x128xf32, #tpu.memory_space<hbm>> -> memref<128x128xf32, #tpu.memory_space<hbm>>
      %dma_start3A_227 = arith.constant 0 : i32
      %dma_start3A_228 = arith.constant 0 : i32
      %dma_start3A_229 = tpu.memref_slice %arg11[%run_scoped3A_187, %dma_start3A_227, %dma_start3A_228] : memref<2x128x128xf32, #tpu.memory_space<vmem>> -> memref<1x128x128xf32, #tpu.memory_space<vmem>>
      %dma_start3A_230 = tpu.memref_squeeze %dma_start3A_229 : memref<1x128x128xf32, #tpu.memory_space<vmem>> -> memref<128x128xf32, #tpu.memory_space<vmem>>
      tpu.enqueue_dma source(%dma_start3A_230 : memref<128x128xf32, #tpu.memory_space<vmem>>) target(%dma_start3A_226 : memref<128x128xf32, #tpu.memory_space<hbm>>) target_semaphore(%run_scoped3A_218 : memref<!tpu.dma_semaphore, #tpu.memory_space<semaphore_mem>>)
      %dma_wait3A_231 = arith.constant 0 : i32
      %dma_wait3A_232 = arith.constant 0 : i32
      %dma_wait3A_233 = tpu.memref_slice %arg11[%run_scoped3A_187, %dma_wait3A_231, %dma_wait3A_232] : memref<2x128x128xf32, #tpu.memory_space<vmem>> -> memref<1x128x128xf32, #tpu.memory_space<vmem>>
      %dma_wait3A_234 = tpu.memref_squeeze %dma_wait3A_233 : memref<1x128x128xf32, #tpu.memory_space<vmem>> -> memref<128x128xf32, #tpu.memory_space<vmem>>
      %dma_wait3A_235 = arith.constant 0 : i32
      %dma_wait3A_236 = tpu.memref_slice %arg7[%add3A_186, %dma_wait3A_235] : memref<16384x128xf32, #tpu.memory_space<hbm>> -> memref<128x128xf32, #tpu.memory_space<hbm>>
      %dma_wait3A_237 = arith.constant 0 : i32
      %dma_wait3A_238 = tpu.memref_slice %arg7[%add3A_186, %dma_wait3A_237] : memref<16384x128xf32, #tpu.memory_space<hbm>> -> memref<128x128xf32, #tpu.memory_space<hbm>>
      %dma_wait3A_239 = arith.constant 0 : i32
      %dma_wait3A_240 = arith.constant 0 : i32
      %dma_wait3A_241 = tpu.memref_slice %arg11[%run_scoped3A_187, %dma_wait3A_239, %dma_wait3A_240] : memref<2x128x128xf32, #tpu.memory_space<vmem>> -> memref<1x128x128xf32, #tpu.memory_space<vmem>>
      %dma_wait3A_242 = tpu.memref_squeeze %dma_wait3A_241 : memref<1x128x128xf32, #tpu.memory_space<vmem>> -> memref<128x128xf32, #tpu.memory_space<vmem>>
      tpu.wait_dma2 semaphore(%run_scoped3A_218 : memref<!tpu.dma_semaphore, #tpu.memory_space<semaphore_mem>>) src(%dma_wait3A_242 : memref<128x128xf32, #tpu.memory_space<vmem>>) dst(%dma_wait3A_238 : memref<128x128xf32, #tpu.memory_space<hbm>>)
      tpu.yield
    }) : () -> ()
    %dma_wait3A_188 = arith.constant 3 : i32
    %dma_wait3A_189 = arith.constant 1 : i32
    %dma_wait3A_190 = arith.constant 0 : i32
    %dma_wait3A_191 = arith.constant 0 : i32
    %dma_wait3A_192 = tpu.memref_slice %arg10[%dma_wait3A_189, %dma_wait3A_190, %dma_wait3A_191] : memref<2x128x128xf32, #tpu.memory_space<vmem>> -> memref<1x128x128xf32, #tpu.memory_space<vmem>>
    %dma_wait3A_193 = tpu.memref_squeeze %dma_wait3A_192 : memref<1x128x128xf32, #tpu.memory_space<vmem>> -> memref<128x128xf32, #tpu.memory_space<vmem>>
    %dma_wait3A_194 = arith.constant 0 : i32
    %dma_wait3A_195 = tpu.memref_slice %arg8[%dma_wait3A_188, %dma_wait3A_194] : memref<4x128xi32, #tpu.memory_space<vmem>> -> memref<1x128xi32, #tpu.memory_space<vmem>>
    %dma_wait3A_196 = tpu.memref_squeeze %dma_wait3A_195 : memref<1x128xi32, #tpu.memory_space<vmem>> -> memref<128xi32, #tpu.memory_space<vmem>>
    %dma_wait3A_197 = arith.constant 0 : i32
    %dma_wait3A_198 = arith.constant 0 : i32
    %dma_wait3A_199 = tpu.memref_slice %arg12[%dma_wait3A_197, %dma_wait3A_198] : memref<1000x128xf32, #tpu.memory_space<vmem_shared>> -> memref<1000x128xf32, #tpu.memory_space<vmem_shared>>
    tpu.wait_indirect_dma semaphore(%arg14 : memref<!tpu.dma_semaphore, #tpu.memory_space<semaphore_mem>>) src(%dma_wait3A_199 : memref<1000x128xf32, #tpu.memory_space<vmem_shared>>) dst(%dma_wait3A_193 : memref<128x128xf32, #tpu.memory_space<vmem>>)
    %dma_wait3A_200 = arith.constant 3 : i32
    %dma_wait3A_201 = arith.constant 1 : i32
    %dma_wait3A_202 = arith.constant 0 : i32
    %dma_wait3A_203 = arith.constant 0 : i32
    %dma_wait3A_204 = tpu.memref_slice %arg11[%dma_wait3A_201, %dma_wait3A_202, %dma_wait3A_203] : memref<2x128x128xf32, #tpu.memory_space<vmem>> -> memref<1x128x128xf32, #tpu.memory_space<vmem>>
    %dma_wait3A_205 = tpu.memref_squeeze %dma_wait3A_204 : memref<1x128x128xf32, #tpu.memory_space<vmem>> -> memref<128x128xf32, #tpu.memory_space<vmem>>
    %dma_wait3A_206 = arith.constant 0 : i32
    %dma_wait3A_207 = tpu.memref_slice %arg9[%dma_wait3A_200, %dma_wait3A_206] : memref<4x128xi32, #tpu.memory_space<vmem>> -> memref<1x128xi32, #tpu.memory_space<vmem>>
    %dma_wait3A_208 = tpu.memref_squeeze %dma_wait3A_207 : memref<1x128xi32, #tpu.memory_space<vmem>> -> memref<128xi32, #tpu.memory_space<vmem>>
    %dma_wait3A_209 = arith.constant 0 : i32
    %dma_wait3A_210 = arith.constant 0 : i32
    %dma_wait3A_211 = tpu.memref_slice %arg3[%dma_wait3A_209, %dma_wait3A_210] : memref<100000x128xf32, #tpu.memory_space<hbm>> -> memref<100000x128xf32, #tpu.memory_space<hbm>>
    tpu.wait_indirect_dma semaphore(%arg16 : memref<!tpu.dma_semaphore, #tpu.memory_space<semaphore_mem>>) src(%dma_wait3A_211 : memref<100000x128xf32, #tpu.memory_space<hbm>>) dst(%dma_wait3A_205 : memref<128x128xf32, #tpu.memory_space<vmem>>)
    %add3A_212 = arith.constant 384 : i32
    %add3A_213 = arith.addi %mul3A_2, %add3A_212 : i32
    %run_scoped3A_214 = arith.constant 1 : i32
    "tpu.region"() ({
      %run_scoped3A_218 = tpu.sem_alloc : memref<!tpu.dma_semaphore, #tpu.memory_space<semaphore_mem>>
      %dma_start3A_219 = arith.constant 0 : i32
      %dma_start3A_220 = arith.constant 0 : i32
      %dma_start3A_221 = tpu.memref_slice %arg10[%run_scoped3A_214, %dma_start3A_219, %dma_start3A_220] : memref<2x128x128xf32, #tpu.memory_space<vmem>> -> memref<1x128x128xf32, #tpu.memory_space<vmem>>
      %dma_start3A_222 = tpu.memref_squeeze %dma_start3A_221 : memref<1x128x128xf32, #tpu.memory_space<vmem>> -> memref<128x128xf32, #tpu.memory_space<vmem>>
      %dma_start3A_223 = arith.constant 0 : i32
      %dma_start3A_224 = tpu.memref_slice %arg6[%add3A_213, %dma_start3A_223] : memref<16384x128xf32, #tpu.memory_space<hbm>> -> memref<128x128xf32, #tpu.memory_space<hbm>>
      %dma_start3A_225 = arith.constant 0 : i32
      %dma_start3A_226 = tpu.memref_slice %arg6[%add3A_213, %dma_start3A_225] : memref<16384x128xf32, #tpu.memory_space<hbm>> -> memref<128x128xf32, #tpu.memory_space<hbm>>
      %dma_start3A_227 = arith.constant 0 : i32
      %dma_start3A_228 = arith.constant 0 : i32
      %dma_start3A_229 = tpu.memref_slice %arg10[%run_scoped3A_214, %dma_start3A_227, %dma_start3A_228] : memref<2x128x128xf32, #tpu.memory_space<vmem>> -> memref<1x128x128xf32, #tpu.memory_space<vmem>>
      %dma_start3A_230 = tpu.memref_squeeze %dma_start3A_229 : memref<1x128x128xf32, #tpu.memory_space<vmem>> -> memref<128x128xf32, #tpu.memory_space<vmem>>
      tpu.enqueue_dma source(%dma_start3A_230 : memref<128x128xf32, #tpu.memory_space<vmem>>) target(%dma_start3A_226 : memref<128x128xf32, #tpu.memory_space<hbm>>) target_semaphore(%run_scoped3A_218 : memref<!tpu.dma_semaphore, #tpu.memory_space<semaphore_mem>>)
      %dma_wait3A_231 = arith.constant 0 : i32
      %dma_wait3A_232 = arith.constant 0 : i32
      %dma_wait3A_233 = tpu.memref_slice %arg10[%run_scoped3A_214, %dma_wait3A_231, %dma_wait3A_232] : memref<2x128x128xf32, #tpu.memory_space<vmem>> -> memref<1x128x128xf32, #tpu.memory_space<vmem>>
      %dma_wait3A_234 = tpu.memref_squeeze %dma_wait3A_233 : memref<1x128x128xf32, #tpu.memory_space<vmem>> -> memref<128x128xf32, #tpu.memory_space<vmem>>
      %dma_wait3A_235 = arith.constant 0 : i32
      %dma_wait3A_236 = tpu.memref_slice %arg6[%add3A_213, %dma_wait3A_235] : memref<16384x128xf32, #tpu.memory_space<hbm>> -> memref<128x128xf32, #tpu.memory_space<hbm>>
      %dma_wait3A_237 = arith.constant 0 : i32
      %dma_wait3A_238 = tpu.memref_slice %arg6[%add3A_213, %dma_wait3A_237] : memref<16384x128xf32, #tpu.memory_space<hbm>> -> memref<128x128xf32, #tpu.memory_space<hbm>>
      %dma_wait3A_239 = arith.constant 0 : i32
      %dma_wait3A_240 = arith.constant 0 : i32
      %dma_wait3A_241 = tpu.memref_slice %arg10[%run_scoped3A_214, %dma_wait3A_239, %dma_wait3A_240] : memref<2x128x128xf32, #tpu.memory_space<vmem>> -> memref<1x128x128xf32, #tpu.memory_space<vmem>>
      %dma_wait3A_242 = tpu.memref_squeeze %dma_wait3A_241 : memref<1x128x128xf32, #tpu.memory_space<vmem>> -> memref<128x128xf32, #tpu.memory_space<vmem>>
      tpu.wait_dma2 semaphore(%run_scoped3A_218 : memref<!tpu.dma_semaphore, #tpu.memory_space<semaphore_mem>>) src(%dma_wait3A_242 : memref<128x128xf32, #tpu.memory_space<vmem>>) dst(%dma_wait3A_238 : memref<128x128xf32, #tpu.memory_space<hbm>>)
      tpu.yield
    }) : () -> ()
    %add3A_215 = arith.constant 384 : i32
    %add3A_216 = arith.addi %mul3A_2, %add3A_215 : i32
    %run_scoped3A_217 = arith.constant 1 : i32
    "tpu.region"() ({
      %run_scoped3A_218 = tpu.sem_alloc : memref<!tpu.dma_semaphore, #tpu.memory_space<semaphore_mem>>
      %dma_start3A_219 = arith.constant 0 : i32
      %dma_start3A_220 = arith.constant 0 : i32
      %dma_start3A_221 = tpu.memref_slice %arg11[%run_scoped3A_217, %dma_start3A_219, %dma_start3A_220] : memref<2x128x128xf32, #tpu.memory_space<vmem>> -> memref<1x128x128xf32, #tpu.memory_space<vmem>>
      %dma_start3A_222 = tpu.memref_squeeze %dma_start3A_221 : memref<1x128x128xf32, #tpu.memory_space<vmem>> -> memref<128x128xf32, #tpu.memory_space<vmem>>
      %dma_start3A_223 = arith.constant 0 : i32
      %dma_start3A_224 = tpu.memref_slice %arg7[%add3A_216, %dma_start3A_223] : memref<16384x128xf32, #tpu.memory_space<hbm>> -> memref<128x128xf32, #tpu.memory_space<hbm>>
      %dma_start3A_225 = arith.constant 0 : i32
      %dma_start3A_226 = tpu.memref_slice %arg7[%add3A_216, %dma_start3A_225] : memref<16384x128xf32, #tpu.memory_space<hbm>> -> memref<128x128xf32, #tpu.memory_space<hbm>>
      %dma_start3A_227 = arith.constant 0 : i32
      %dma_start3A_228 = arith.constant 0 : i32
      %dma_start3A_229 = tpu.memref_slice %arg11[%run_scoped3A_217, %dma_start3A_227, %dma_start3A_228] : memref<2x128x128xf32, #tpu.memory_space<vmem>> -> memref<1x128x128xf32, #tpu.memory_space<vmem>>
      %dma_start3A_230 = tpu.memref_squeeze %dma_start3A_229 : memref<1x128x128xf32, #tpu.memory_space<vmem>> -> memref<128x128xf32, #tpu.memory_space<vmem>>
      tpu.enqueue_dma source(%dma_start3A_230 : memref<128x128xf32, #tpu.memory_space<vmem>>) target(%dma_start3A_226 : memref<128x128xf32, #tpu.memory_space<hbm>>) target_semaphore(%run_scoped3A_218 : memref<!tpu.dma_semaphore, #tpu.memory_space<semaphore_mem>>)
      %dma_wait3A_231 = arith.constant 0 : i32
      %dma_wait3A_232 = arith.constant 0 : i32
      %dma_wait3A_233 = tpu.memref_slice %arg11[%run_scoped3A_217, %dma_wait3A_231, %dma_wait3A_232] : memref<2x128x128xf32, #tpu.memory_space<vmem>> -> memref<1x128x128xf32, #tpu.memory_space<vmem>>
      %dma_wait3A_234 = tpu.memref_squeeze %dma_wait3A_233 : memref<1x128x128xf32, #tpu.memory_space<vmem>> -> memref<128x128xf32, #tpu.memory_space<vmem>>
      %dma_wait3A_235 = arith.constant 0 : i32
      %dma_wait3A_236 = tpu.memref_slice %arg7[%add3A_216, %dma_wait3A_235] : memref<16384x128xf32, #tpu.memory_space<hbm>> -> memref<128x128xf32, #tpu.memory_space<hbm>>
      %dma_wait3A_237 = arith.constant 0 : i32
      %dma_wait3A_238 = tpu.memref_slice %arg7[%add3A_216, %dma_wait3A_237] : memref<16384x128xf32, #tpu.memory_space<hbm>> -> memref<128x128xf32, #tpu.memory_space<hbm>>
      %dma_wait3A_239 = arith.constant 0 : i32
      %dma_wait3A_240 = arith.constant 0 : i32
      %dma_wait3A_241 = tpu.memref_slice %arg11[%run_scoped3A_217, %dma_wait3A_239, %dma_wait3A_240] : memref<2x128x128xf32, #tpu.memory_space<vmem>> -> memref<1x128x128xf32, #tpu.memory_space<vmem>>
      %dma_wait3A_242 = tpu.memref_squeeze %dma_wait3A_241 : memref<1x128x128xf32, #tpu.memory_space<vmem>> -> memref<128x128xf32, #tpu.memory_space<vmem>>
      tpu.wait_dma2 semaphore(%run_scoped3A_218 : memref<!tpu.dma_semaphore, #tpu.memory_space<semaphore_mem>>) src(%dma_wait3A_242 : memref<128x128xf32, #tpu.memory_space<vmem>>) dst(%dma_wait3A_238 : memref<128x128xf32, #tpu.memory_space<hbm>>)
      tpu.yield
    }) : () -> ()
    return
  }
}

module attributes {stable_mosaic.version = 14 : i64} {
  func.func @_mlp_body(%arg0: i32, %arg1: memref<1024x128xf32, #tpu.memory_space<vmem>>, %arg2: memref<1024x128xf32, #tpu.memory_space<vmem>>, %arg3: memref<64x1024xf32, #tpu.memory_space<vmem>>, %arg4: memref<128x1024xf32, #tpu.memory_space<vmem>>, %arg5: memref<1x1024xf32, #tpu.memory_space<vmem>>, %arg6: memref<1024x1024xf32, #tpu.memory_space<vmem>>, %arg7: memref<1x1024xf32, #tpu.memory_space<vmem>>, %arg8: memref<1024x1024xf32, #tpu.memory_space<vmem>>) attributes {dimension_semantics = [#tpu.dimension_semantics<arbitrary>], iteration_bounds = array<i64: 16>, scalar_prefetch = 0 : i64, scratch_operands = 0 : i64, tpu.core_type = #tpu.core_type<tc>, window_params = [{transform_indices = @transform_0, window_bounds = array<i64: 1024, 128>}, {transform_indices = @transform_1, window_bounds = array<i64: 1024, 128>}, {pipeline_mode = #tpu.pipeline_mode<synchronous>, transform_indices = @transform_2, window_bounds = array<i64: 64, 1024>}, {pipeline_mode = #tpu.pipeline_mode<synchronous>, transform_indices = @transform_3, window_bounds = array<i64: 128, 1024>}, {pipeline_mode = #tpu.pipeline_mode<synchronous>, transform_indices = @transform_4, window_bounds = array<i64: 1, 1024>}, {pipeline_mode = #tpu.pipeline_mode<synchronous>, transform_indices = @transform_5, window_bounds = array<i64: 1024, 1024>}, {pipeline_mode = #tpu.pipeline_mode<synchronous>, transform_indices = @transform_6, window_bounds = array<i64: 1, 1024>}, {transform_indices = @transform_7, window_bounds = array<i64: 1024, 1024>}]} {
    %get3A = arith.constant 0 : index
    %get3A_0 = arith.constant 0 : index
    %get3A_1 = vector.load %arg1[%get3A, %get3A_0] : memref<1024x128xf32, #tpu.memory_space<vmem>>, vector<1024x64xf32>
    %get3A_2 = arith.constant 0 : index
    %get3A_3 = arith.constant 0 : index
    %get3A_4 = vector.load %arg3[%get3A_2, %get3A_3] : memref<64x1024xf32, #tpu.memory_space<vmem>>, vector<64x1024xf32>
    %dot_general3A = arith.constant dense<0.000000e+00> : vector<1024x1024xf32>
    %dot_general3A_5 = tpu.matmul %get3A_1, %get3A_4, %dot_general3A {dimension_numbers = #tpu.dot_dimension_numbers<[1], [0], [0], [1], [0, 0, 1, 1], [], []>, transpose_lhs_hint = false} : vector<1024x64xf32>, vector<64x1024xf32>, vector<1024x1024xf32> -> vector<1024x1024xf32>
    %get3A_6 = arith.constant 0 : index
    %get3A_7 = arith.constant 0 : index
    %get3A_8 = vector.load %arg2[%get3A_6, %get3A_7] : memref<1024x128xf32, #tpu.memory_space<vmem>>, vector<1024x128xf32>
    %get3A_9 = arith.constant 0 : index
    %get3A_10 = arith.constant 0 : index
    %get3A_11 = vector.load %arg4[%get3A_9, %get3A_10] : memref<128x1024xf32, #tpu.memory_space<vmem>>, vector<128x1024xf32>
    %dot_general3A_12 = arith.constant dense<0.000000e+00> : vector<1024x1024xf32>
    %dot_general3A_13 = tpu.matmul %get3A_8, %get3A_11, %dot_general3A_12 {dimension_numbers = #tpu.dot_dimension_numbers<[1], [0], [0], [1], [0, 0, 1, 1], [], []>, transpose_lhs_hint = false} : vector<1024x128xf32>, vector<128x1024xf32>, vector<1024x1024xf32> -> vector<1024x1024xf32>
    %add3A = arith.addf %dot_general3A_5, %dot_general3A_13 : vector<1024x1024xf32>
    %get3A_14 = arith.constant 0 : index
    %get3A_15 = arith.constant 0 : index
    %get3A_16 = vector.load %arg5[%get3A_14, %get3A_15] : memref<1x1024xf32, #tpu.memory_space<vmem>>, vector<1x1024xf32>
    %add3A_17 = vector.broadcast %get3A_16 : vector<1x1024xf32> to vector<1024x1024xf32>
    %add3A_18 = arith.addf %add3A, %add3A_17 : vector<1024x1024xf32>
    %mul3A = arith.constant 5.000000e-01 : f32
    %mul3A_19 = vector.broadcast %mul3A : f32 to vector<1024x1024xf32>
    %mul3A_20 = arith.mulf %add3A_18, %mul3A_19 : vector<1024x1024xf32>
    %mul3A_21 = arith.constant 5.000000e-01 : f32
    %mul3A_22 = vector.broadcast %mul3A_21 : f32 to vector<1024x1024xf32>
    %mul3A_23 = arith.mulf %mul3A_22, %add3A_18 : vector<1024x1024xf32>
    %tanh3A = math.tanh %mul3A_23 : vector<1024x1024xf32>
    %add3A_24 = arith.constant 1.000000e+00 : f32
    %add3A_25 = vector.broadcast %add3A_24 : f32 to vector<1024x1024xf32>
    %add3A_26 = arith.addf %add3A_25, %tanh3A : vector<1024x1024xf32>
    %mul3A_27 = arith.mulf %mul3A_20, %add3A_26 : vector<1024x1024xf32>
    %get3A_28 = arith.constant 0 : index
    %get3A_29 = arith.constant 0 : index
    %get3A_30 = vector.load %arg6[%get3A_28, %get3A_29] : memref<1024x1024xf32, #tpu.memory_space<vmem>>, vector<1024x1024xf32>
    %dot_general3A_31 = arith.constant dense<0.000000e+00> : vector<1024x1024xf32>
    %dot_general3A_32 = tpu.matmul %mul3A_27, %get3A_30, %dot_general3A_31 {dimension_numbers = #tpu.dot_dimension_numbers<[1], [0], [0], [1], [0, 0, 1, 1], [], []>, transpose_lhs_hint = false} : vector<1024x1024xf32>, vector<1024x1024xf32>, vector<1024x1024xf32> -> vector<1024x1024xf32>
    %get3A_33 = arith.constant 0 : index
    %get3A_34 = arith.constant 0 : index
    %get3A_35 = vector.load %arg7[%get3A_33, %get3A_34] : memref<1x1024xf32, #tpu.memory_space<vmem>>, vector<1x1024xf32>
    %add3A_36 = vector.broadcast %get3A_35 : vector<1x1024xf32> to vector<1024x1024xf32>
    %add3A_37 = arith.addf %dot_general3A_32, %add3A_36 : vector<1024x1024xf32>
    %swap3A = arith.constant 0 : index
    %swap3A_38 = arith.constant 0 : index
    %swap3A_39 = vector.load %arg8[%swap3A, %swap3A_38] : memref<1024x1024xf32, #tpu.memory_space<vmem>>, vector<1024x1024xf32>
    tpu.vector_store %arg8[%swap3A, %swap3A_38], %add3A_37 {strides = array<i32>} : memref<1024x1024xf32, #tpu.memory_space<vmem>>, vector<1024x1024xf32>,
    return
  }
  func.func @transform_0(%arg0: i32) -> (i32, i32) {
    %c0_i32 = arith.constant 0 : i32
    %c0_i32_0 = arith.constant 0 : i32
    return %arg0, %c0_i32 : i32, i32
  }
  func.func @transform_1(%arg0: i32) -> (i32, i32) {
    %c0_i32 = arith.constant 0 : i32
    %c0_i32_0 = arith.constant 0 : i32
    return %arg0, %c0_i32 : i32, i32
  }
  func.func @transform_2(%arg0: i32) -> (i32, i32) {
    %c0_i32 = arith.constant 0 : i32
    %c0_i32_0 = arith.constant 0 : i32
    %c0_i32_1 = arith.constant 0 : i32
    return %c0_i32, %c0_i32_0 : i32, i32
  }
  func.func @transform_3(%arg0: i32) -> (i32, i32) {
    %c0_i32 = arith.constant 0 : i32
    %c0_i32_0 = arith.constant 0 : i32
    %c0_i32_1 = arith.constant 0 : i32
    return %c0_i32, %c0_i32_0 : i32, i32
  }
  func.func @transform_4(%arg0: i32) -> (i32, i32) {
    %c0_i32 = arith.constant 0 : i32
    %c0_i32_0 = arith.constant 0 : i32
    %c0_i32_1 = arith.constant 0 : i32
    return %c0_i32, %c0_i32_0 : i32, i32
  }
  func.func @transform_5(%arg0: i32) -> (i32, i32) {
    %c0_i32 = arith.constant 0 : i32
    %c0_i32_0 = arith.constant 0 : i32
    %c0_i32_1 = arith.constant 0 : i32
    return %c0_i32, %c0_i32_0 : i32, i32
  }
  func.func @transform_6(%arg0: i32) -> (i32, i32) {
    %c0_i32 = arith.constant 0 : i32
    %c0_i32_0 = arith.constant 0 : i32
    %c0_i32_1 = arith.constant 0 : i32
    return %c0_i32, %c0_i32_0 : i32, i32
  }
  func.func @transform_7(%arg0: i32) -> (i32, i32) {
    %c0_i32 = arith.constant 0 : i32
    %c0_i32_0 = arith.constant 0 : i32
    return %arg0, %c0_i32 : i32, i32
  }
}

</mosaic_0001>

<sc_bundles>
// kernel: kernel.4.cloned.1.call-start
scs
__scs_entry_jumppad:
0x0: {  	(pc) =	sbr.rel $0x88, $3  }
0x1: {  	(tag) =	ssettag $0x0;
	lr =	simm.s32 $0x1  }
0x2: {  	[smem:$0x3F99] =	sst lr;
	_ =	strace $0xD0000000  }
0x3: {  	_ = 	snop  }
0x4: {  	_ = 	snop  }
0x5: {  	_ = 	snop  }
0x6: {  	_ = 	snop  }
0x7: {  	_ = 	snop  }
__scs_overlays_trampoline_lowered:
0x8: {  	[smem:$0x3FA8] =	sst s0  }
0x9: {  	[smem:$0x3FA9] =	sst s1  }
0xa: {  	[smem:$0x3FAA] =	sst s2  }
0xb: {  	[smem:$0x3FAB] =	sst s3  }
0xc: {  	[smem:$0x3FAC] =	sst s4  }
0xd: {  	[smem:$0x3FAD] =	sst s5  }
0xe: {  	[smem:$0x3FAE] =	sst s6  }
0xf: {  	[smem:$0x3FAF] =	sst s7  }
0x10: {  	[smem:$0x3FB0] =	sst s8  }
0x11: {  	[smem:$0x3FB1] =	sst s9;
	s0 =	simm.s32 @!p0 $0x0  }
0x12: {  	s1 =	sld [smem:$0x3F97];
	s0 =	simm.s32 @p0 $0x1  }
0x13: {  	[smem:$0x3FB2] =	sst s0;
	s0 =	simm.s32 @!p1 $0x0  }
0x14: {  	s2 =	sld [smem:$0x3F96];
	s0 =	simm.s32 @p1 $0x1  }
0x15: {  	[smem:$0x3FB3] =	sst s0;
	s0 =	simm.s32 @!p2 $0x0  }
0x16: {  	s3 =	sld [smem:$0x3FDB];
	s0 =	simm.s32 @p2 $0x1  }
0x17: {  	s4 =	simm.s32 $0x1BF5;
	[smem:$0x3FB5] =	sst s0  }
0x18: {  	s0 =	sld [smem:$0x3F98];
	_ =	swait.ge [sflag:s4], $0x0  }
0x19: {  	s7 =	sld [smem:$0x3F99]  }
0x1a: {  	s8 =	sadd.s32 $0xFFFFE003, lr  }
0x1b: {  	s9 =	sadd.s32 $0xFFFFFEF7, lr;
	s5 =	simm.s32 $0xFFFFFFFF;
	p2 =	slt.u32 s8, $0xFFFFF086  }
0x1c: {  	p1 =	slt.u32 s9, $0xF7A;
	s5 =	simm.s32 @!p2 $0x0  }
0x1d: {  	s5 =	simm.s32 @p1 $0x1;
	p0 =	seq.s32 s7, s2  }
0x1e: {  	s7 =	smul.u32 @!p0 $0xF7A, s2;
	p2 =	seq.s32 @!p0 s5, $0x0  }
0x1f: {  	s9 =	smul.u32 $0xF7A, s1;
	s8 =	simm.s32 @!p0 $0x1BF5;
	p2 =	por !p2, p0  }
0x20: {  	[sflag:s8] =	ssyncset.s32 @!p0 $0xFFFFF086;
	s6 =	sadd.s32 @!p0 s3, s7;
	s7 =	simm.s32 @!p0 $0x108  }
0x21: {  	s3 =	sadd.s32 s3, s9;
	s6 =	sadd.s32 @!p0 $0x88, s6;
	s7 =	simm.s32 @p2 $0x1082  }
0x22: {  	[simem:s7], [sflag:s8] =	dma.local @!p0 [hbm:s6], $0xF7A  }
0x23: {  	s9 =	sor.u32 $0xD0000000, s2;
	s6 =	simm.s32 $0x108;
	_ =	swait.ge @!p0 [sflag:s8], $0x0  }
0x24: {  	s3 =	sadd.s32 $0x88, s3;
	s6 =	simm.s32 @!p1 $0x1082;
	[sflag:s4] =	ssyncset.s32 $0xFFFFF086  }
0x25: {  	[simem:s6], [sflag:s4] =	dma.local [hbm:s3], $0xF7A  }
0x26: {  	[smem:$0x3F99] =	sst s1;
	(tag) =	ssettag s2;
	_ =	strace s9  }
0x27: {  	s1 =	sld [smem:$0x3FA9]  }
0x28: {  	s2 =	sld [smem:$0x3FAA]  }
0x29: {  	s4 =	sld [smem:$0x3FAC]  }
0x2a: {  	p0 =	seq.s32 s5, $0x0;
	s5 =	sld [smem:$0x3FAD]  }
0x2b: {  	s6 =	sld [smem:$0x3FAE]  }
0x2c: {  	s7 =	sld [smem:$0x3FAF]  }
0x2d: {  	s3 =	simm.s32 $0x108;
	s8 =	sld [smem:$0x3FB0]  }
0x2e: {  	s3 =	simm.s32 @!p0 $0x1082;
	s9 =	sld [smem:$0x3FB1]  }
0x2f: {  	lr =	sadd.s32 s0, s3;
	s0 =	sld [smem:$0x3FA8]  }
0x30: {  	s3 =	sld [smem:$0x3FAB]  }
0x31: {  	[smem:$0x3FB4] =	sst s10  }
0x32: {  	s10 =	sld [smem:$0x3FB2];
	_ =	sdelay $0x3  }
0x33: {  	p0 =	seq.s32 s10, $0x1;
	s10 =	sld [smem:$0x3FB4];
	_ =	sdelay $0x3  }
0x34: {  	[smem:$0x3FB4] =	sst s10  }
0x35: {  	s10 =	sld [smem:$0x3FB3];
	_ =	sdelay $0x3  }
0x36: {  	p1 =	seq.s32 s10, $0x1;
	s10 =	sld [smem:$0x3FB4];
	_ =	sdelay $0x3  }
0x37: {  	[smem:$0x3FB4] =	sst s10  }
0x38: {  	s10 =	sld [smem:$0x3FB5]  }
0x39: {  	_ = 	snop;
	(pc) =	sbr.ind lr, $3  }
0x3a: {  	_ = 	snop  }
0x3b: {  	_ = 	snop  }
0x3c: {  	p2 =	seq.s32 s10, $0x1;
	s10 =	sld [smem:$0x3FB4]  }
0x3d: {  	_ =	shalt  }
0x3e: {  	_ =	shalt  }
0x3f: {  	_ =	shalt  }
0x40: {  	_ =	shalt  }
0x41: {  	_ =	shalt  }
0x42: {  	_ =	shalt  }
0x43: {  	_ =	shalt  }
0x44: {  	_ =	shalt  }
0x45: {  	_ =	shalt  }
0x46: {  	_ =	shalt  }
0x47: {  	_ =	shalt  }
0x48: {  	_ =	shalt  }
0x49: {  	_ =	shalt  }
0x4a: {  	_ =	shalt  }
0x4b: {  	_ =	shalt  }
0x4c: {  	_ =	shalt  }
0x4d: {  	_ =	shalt  }
0x4e: {  	_ =	shalt  }
0x4f: {  	_ =	shalt  }
0x50: {  	_ =	shalt  }
0x51: {  	_ =	shalt  }
0x52: {  	_ =	shalt  }
0x53: {  	_ =	shalt  }
0x54: {  	_ =	shalt  }
0x55: {  	_ =	shalt  }
0x56: {  	_ =	shalt  }
0x57: {  	_ =	shalt  }
0x58: {  	_ =	shalt  }
0x59: {  	_ =	shalt  }
0x5a: {  	_ =	shalt  }
0x5b: {  	_ =	shalt  }
0x5c: {  	_ =	shalt  }
0x5d: {  	_ =	shalt  }
0x5e: {  	_ =	shalt  }
0x5f: {  	_ =	shalt  }
0x60: {  	_ =	shalt  }
0x61: {  	_ =	shalt  }
0x62: {  	_ =	shalt  }
0x63: {  	_ =	shalt  }
0x64: {  	_ =	shalt  }
0x65: {  	_ =	shalt  }
0x66: {  	_ =	shalt  }
0x67: {  	_ =	shalt  }
0x68: {  	_ =	shalt  }
0x69: {  	_ =	shalt  }
0x6a: {  	_ =	shalt  }
0x6b: {  	_ =	shalt  }
0x6c: {  	_ =	shalt  }
0x6d: {  	_ =	shalt  }
0x6e: {  	_ =	shalt  }
0x6f: {  	_ =	shalt  }
0x70: {  	_ =	shalt  }
0x71: {  	_ =	shalt  }
0x72: {  	_ =	shalt  }
0x73: {  	_ =	shalt  }
0x74: {  	_ =	shalt  }
0x75: {  	_ =	shalt  }
0x76: {  	_ =	shalt  }
0x77: {  	_ =	shalt  }
0x78: {  	_ =	shalt  }
0x79: {  	_ =	shalt  }
0x7a: {  	_ =	shalt  }
0x7b: {  	_ =	shalt  }
0x7c: {  	_ =	shalt  }
0x7d: {  	_ =	shalt  }
0x7e: {  	_ =	shalt  }
0x7f: {  	_ =	shalt  }
0x80: {  	_ =	shalt  }
0x81: {  	_ =	shalt  }
0x82: {  	_ =	shalt  }
0x83: {  	_ =	shalt  }
0x84: {  	_ =	shalt  }
0x85: {  	_ =	shalt  }
0x86: {  	_ =	shalt  }
0x87: {  	_ =	shalt  }
.Lfunc_end0:
.L_simem_size_0:
called_computation_lowered:
.L_overlay_start_0:
0x88: {  	s2 =	sld [smem:$0x3FD9]  }
0x89: {  	s3 =	sld [smem:$0x3FFE];
	_ =	sdelay $0x1  }
0x8a: {  	s1 =	srdreg.scid  }
0x8b: {  	s0 =	sand.u32 $0x1, s1  }
0x8c: {  	s17 =	sshll.u32 s0, $0xA;
	s2 =	sadd.s32 s3, s2  }
0x8d: {  	s2 =	sadd.s32 s2, s17  }
0x8e: {  	[smem:$0x3FC0] =	sst s2  }
0x8f: {  	_ = 	snop  }
0x90: {  	s2 =	sld [smem:$0x3FC9]  }
0x91: {  	s18 =	sld [smem:$0x3FC8]  }
0x92: {  	s4 =	sld [smem:$0x3FC6]  }
0x93: {  	s5 =	sld [smem:$0x3FD0];
	(tm) =	ssettm $0x1  }
0x94: {  	s6 =	sld [smem:$0x3FFB];
	_ =	sdelay $0x3  }
0x95: {  	_ =	strace s6  }
0x96: {  	s6 =	sld [smem:$0x3FFC];
	_ =	sdelay $0x3  }
0x97: {  	_ =	strace s6  }
0x98: {  	s6 =	sld [smem:$0x3FFD];
	_ =	sdelay $0x3  }
0x99: {  	_ =	strace s6  }
0x9a: {  	_ =	strace $0x8FFFFFFF  }
0x9b: {  	s19 =	sld [smem:$0x3FDB];
	_ =	sdelay $0x1  }
0x9c: {  	s7 =	simm.s32 $_scs_section_size  }
0x9d: {  	s8 =	simm.s32 $_size__tile_overlayer_lowered;
	s9 =	simm.s32 $_tile_overlayer_lowered  }
0x9e: {  	s22 =	simm.s32 $0x1BFF;
	s21 =	sshll.u32 s9, $0x1;
	s6 =	sadd.s32 s7, s19  }
0x9f: {  	s10 =	simm.s32 $0x0;
	s20 =	sshll.u32 s8, $0x1;
	s8 =	sadd.s32 s21, s6  }
0xa0: {  	[timem:s10], [sflag:s22] =	dma.local [hbm:s8], s20  }
0xa1: {  	_ =	swait.ge [sflag:s22], s20  }
0xa2: {  	s7 =	ssub.s32 $0x0, s20;
	[sflag:s22] =	ssyncset.done $0x0  }
0xa3: {  	[sflag:s22] =	ssyncadd.s32 s7;
	_ =	sdelay $0x1  }
0xa4: {  	s23 =	simm.s32 $0x1B8B  }
0xa5: {  	_ =	swait.ge [sflag:s23], $0x1  }
0xa6: {  	[sflag:s23] =	ssyncset.done $0x0  }
0xa7: {  	s25 =	simm.s32 $0x1B8E;
	s24 =	sld [smem:$0x3FFE];
	[sflag:s23] =	ssyncadd.s32 $0xFFFFFFFF  }
0xa8: {  	s26 =	simm.s32 $execute0_lowered;
	[smem:$0x3FD2] =	sst s25  }
0xa9: {  	s8 =	sshll.u32 s26, $0x1;
	_ =	strace $0x80000046;
	[dreg:$0x1] =	wrdreg $0xFFFFFFFF  }
0xaa: {  	s28 =	simm.s32 $_size_execute0_lowered;
	s6 =	sadd.s32 s6, s8;
	[dreg:$0x0] =	wrdreg $0x0  }
0xab: {  	s8 =	sshll.u32 s28, $0x1;
	[dreg:$0x2] =	wrdreg s6  }
0xac: {  	[dreg:$0x3] =	wrdreg s8  }
0xad: {  	[dreg:$0x4] =	wrdreg $0xC0  }
0xae: {  	_ =	task [dreg:s10], $0x5FFFF  }
0xaf: {  	[dreg:$0x1] =	wrdreg $0xFFFFFFFF  }
0xb0: {  	[dreg:$0x0] =	wrdreg $0x60  }
0xb1: {  	[dreg:$0x2] =	wrdreg s24  }
0xb2: {  	[dreg:$0x3] =	wrdreg s4  }
0xb3: {  	[dreg:$0x4] =	wrdreg s2  }
0xb4: {  	[dreg:$0x5] =	wrdreg s18  }
0xb5: {  	[dreg:$0x6] =	wrdreg s5  }
0xb6: {  	[dreg:$0x7] =	wrdreg $0x104000  }
0xb7: {  	[dreg:$0x8] =	wrdreg $0x9  }
0xb8: {  	_ =	task.clear_ibuf [dreg:s10], $0x9FFFF;
	_ =	strace $0x90000046  }
0xb9: {  	s29 =	simm.s32 $0x9;
	_ =	strace $0x80000048  }
0xba: {  	_ =	swait.ge [sflag:s29], $0x1  }
0xbb: {  	[sflag:s29] =	ssyncadd.s32 $0xFFFFFFFF  }
0xbc: {  	_ =	strace $0x90000048  }
0xbd: {  	_ =	sfence  }
0xbe: {  	s30 =	sld [smem:$0x0];
	_ =	sdelay $0x2  }
0xbf: {  	s31 =	sshll.u32 s1, $0xD;
	s1 =	sshrl.u32 s1, $0x2  }
0xc0: {  	s3 =	sand.u32 $0x4000, s31;
	s1 =	sadd.s32 s1, s30  }
0xc1: {  	s0 =	sor.u32 s3, s0;
	s1 =	sshll.u32 s1, $0x11  }
0xc2: {  	s0 =	sor.u32 s1, s0  }
0xc3: {  	s0 =	sadd.s32 $0x8F2B, s0  }
0xc4: {  	[sflag:s0] =	ssyncadd.remote.s32 $0x1  }
0xc5: {  	_ =	sfence.sel $0xFFFF  }
0xc6: {  	[dreg:$0x0] =	wrdreg $0xFFFFFFFF;
	(pc) =	sbr.abs _section_cstart, $3  }
0xc7: {  	[dreg:$0x1] =	wrdreg $0xFFFFFFFF  }
0xc8: {  	_ =	task.clear_ibuf [dreg:s10], $0x2FFFF;
	_ =	strace $0x9FFFFFFF  }
0xc9: {  	(tm) =	ssettm $0x7FFFFFFF  }
tec
execute0_lowered:
.L_overlay_start_1:
0x0: {  	(tag) =	ssettag $0x1  }
0x1: {  	s0 =	rddreg [dreg:$0x0]  }
0x2: {  	s2 =	rddreg [dreg:$0x1]  }
0x3: {  	s4 =	rddreg [dreg:$0x2]  }
0x4: {  	s5 =	rddreg [dreg:$0x3]  }
0x5: {  	s6 =	rddreg [dreg:$0x4]  }
0x6: {  	s3 =	rddreg [dreg:$0x5]  }
0x7: {  	s30 =	rddreg [dreg:$0x6]  }
0x8: {  	s1 =	simm.s32 $0x0;
	s7 =	srdreg.scid;
	s9 =	stileid.u32  }
0x9: {  	s17 =	simm.s32 $0x80;
	s14 =	simm.s32 $0x400;
	s19 =	simm.s32 $0x1  }
0xa: {  	s18 =	simm.s32 $0x3;
	s13 =	simm.s32 $0x2;
	p1 =	por $0x0, $0x0  }
0xb: {  	s15 =	simm.s32 $0x4;
	[smem:$0x7FF] =	sst s1;
	s7 =	sand.u32 $0x1, s7  }
0xc: {  	s8 =	sshll.u32 s9, $0xA;
	s11 =	sadd.s32 $0x1400, s0;
	s0 =	sadd.s32 $0x5400, s0  }
0xd: {  	p0 =	sne.s32 s9, $0x0;
	s9 =	simm.s32 $0x4400;
	_ =	strace $0x80000047  }
0xe: {  	s10 =	sshll.u32 s7, $0x9;
	s7 =	ssub.s32 $0x2, s7;
	[dreg:$0x7] =	wrdreg s11  }
0xf: {  	s28 =	sshrl.u32 @!p0 s3, $0x3;
	s8 =	sor.u32 s10, s8;
	s21 =	sshrl.u32 s7, $0x1  }
0x10: {  	s11 =	simm.s32 $0x8400;
	s22 =	sshrl.u32 s8, $0x3;
	s7 =	ssub.s32 s7, s21  }
0x11: {  	s24 =	sshll.u32 s8, $0x4;
	s21 =	simm.s32 $0x180;
	s4 =	sadd.s32 s4, s22  }
0x12: {  	s23 =	sadd.s32 s5, s22;
	s25 =	sadd.s32 s6, s24;
	s8 =	sor.u32 $0x800, s24  }
0x13: {  	s20 =	sadd.s32 s0, s24;
	s26 =	sor.u32 $0x1000, s24;
	s29 =	smax.u32 s7, $0x1  }
0x14: {  	s5 =	sor.u32 $0x1800, s24;
	s7 =	simm.s32 $0xC400;
	s31 =	sadd.s32 $0xFFFFFFFF, s29  }
0x15: {  	s24 =	simm.s32 $0x300;
	[dreg:$0x8] =	wrdreg s4;
	p2 =	sne.s32 s31, $0x0  }
.Ltmp0:
0x16: {  	s22 =	simm.s32 $0x380;
	[dreg:$0x9] =	wrdreg s23;
	(pc) =	sbr.rel @!p2 .LBB2_5-.Ltmp0, $4  }
0x17: {  	[dreg:$0xa] =	wrdreg s25;
	s16 =	sadd.s32 s6, s8;
	s12 =	sadd.s32 s0, s8  }
0x18: {  	s10 =	sadd.s32 s6, s26;
	s8 =	sadd.s32 s0, s26;
	s6 =	sadd.s32 s6, s5  }
0x19: {  	s4 =	sadd.s32 s0, s5;
	s5 =	simm.s32 $0x5;
	s25 =	simm.s32 $0x200  }
0x1a: {  	s26 =	simm.s32 $0x280;
	s23 =	simm.s32 $0x100;
	s0 =	rddreg [dreg:$0x7]  }
0x1b: {  	s29 =	simm.s32 @!p0 $0x1C05;
	s30 =	simm.s32 @!p0 $0x5  }
0x1c: {  	[spmem:s28], [sflag:s29] =	dma.local @!p0 [hbm:s0], $0x3E80  }
0x1d: {  	_ =	swait.ge @!p0 [sflag:s30], $0x3E80  }
0x1e: {  	[sflag:s30] =	ssyncset.done @!p0 $0x0  }
0x1f: {  	s0 =	rddreg [dreg:$0x8];
	[sflag:s30] =	ssyncadd.s32 @!p0 $0xFFFFC180  }
0x20: {  	[tilespmem:s1], [sflag:$0x5] =	stream.linear.gather [hbm4b:s0+s1], $0x200, $0x38;
	[tilespmem:$0x12340] =	vst v63  }
0x21: {  	_ =	swait.ge [sflag:s5], $0x200  }
0x22: {  	[sflag:s5] =	ssyncset.done $0x0  }
0x23: {  	s0 =	rddreg [dreg:$0x9];
	[sflag:s5] =	ssyncadd.s32 $0xFFFFFE00  }
0x24: {  	[tilespmem:s25], [sflag:$0x5] =	stream.linear.gather [hbm4b:s0+s1], $0x200, $0x38;
	[tilespmem:$0x12340] =	vst v63  }
0x25: {  	_ =	swait.ge [sflag:s5], $0x200  }
0x26: {  	[sflag:s5] =	ssyncset.done $0x0  }
0x27: {  	[sflag:s5] =	ssyncadd.s32 $0xFFFFFE00  }
0x28: {  	[bflag:$0x0] =	sbarrier.arrive $0xFFFF  }
0x29: {  	[tilespmem:s14], [sflag:$0x1] =	stream.indirect.gather [spmem:s3], $0x80, s1, s17, $0xb8;
	[tilespmem:$0x12340] =	vst v63  }
0x2a: {  	_ = 	snop  }
0x2b: {  	[tilespmem:s11], [sflag:$0x3] =	stream.indirect.gather [hbm4b:s2+s17], $0x80, s25, s17, $0xb8;
	[tilespmem:$0x12340] =	vst v63  }
0x2c: {  	_ = 	snop  }
0x2d: {  	[tilespmem:s9], [sflag:$0x2] =	stream.indirect.gather [spmem:s3], $0x80, s17, s17, $0xb8;
	[tilespmem:$0x12340] =	vst v63  }
0x2e: {  	_ = 	snop  }
0x2f: {  	[tilespmem:s7], [sflag:$0x4] =	stream.indirect.gather [hbm4b:s2+s17], $0x80, s26, s17, $0xb8;
	[tilespmem:$0x12340] =	vst v63  }
0x30: {  	_ =	swait.ge [sflag:s19], $0x4000  }
0x31: {  	[sflag:s19] =	ssyncset.done $0x0  }
0x32: {  	[sflag:s19] =	ssyncadd.s32 $0xFFFFC000  }
0x33: {  	_ =	swait.ge [sflag:s18], $0x4000  }
0x34: {  	[sflag:s18] =	ssyncset.done $0x0  }
0x35: {  	s0 =	rddreg [dreg:$0xa];
	[sflag:s18] =	ssyncadd.s32 $0xFFFFC000  }
0x36: {  	[hbm4b:s0+s1] =	stream.linear.scatter [tilespmem:s14], [sflag:$0x5], $0x4000, $0x38;
	[tilespmem:$0x12340] =	vst v63  }
0x37: {  	_ =	swait.ge [sflag:s5], $0x4000  }
0x38: {  	[sflag:s5] =	ssyncset.done $0x0  }
0x39: {  	[sflag:s5] =	ssyncadd.s32 $0xFFFFC000  }
0x3a: {  	[hbm4b:s20+s1] =	stream.linear.scatter [tilespmem:s11], [sflag:$0x5], $0x4000, $0x38;
	[tilespmem:$0x12340] =	vst v63  }
0x3b: {  	_ =	swait.ge [sflag:s5], $0x4000  }
0x3c: {  	[sflag:s5] =	ssyncset.done $0x0  }
0x3d: {  	[sflag:s5] =	ssyncadd.s32 $0xFFFFC000  }
0x3e: {  	[tilespmem:s14], [sflag:$0x1] =	stream.indirect.gather [spmem:s3], $0x80, s23, s17, $0xb8;
	[tilespmem:$0x12340] =	vst v63  }
0x3f: {  	_ = 	snop  }
0x40: {  	[tilespmem:s11], [sflag:$0x3] =	stream.indirect.gather [hbm4b:s2+s17], $0x80, s24, s17, $0xb8;
	[tilespmem:$0x12340] =	vst v63  }
0x41: {  	_ =	swait.ge [sflag:s13], $0x4000  }
0x42: {  	[sflag:s13] =	ssyncset.done $0x0  }
0x43: {  	[sflag:s13] =	ssyncadd.s32 $0xFFFFC000  }
0x44: {  	_ =	swait.ge [sflag:s15], $0x4000  }
0x45: {  	[sflag:s15] =	ssyncset.done $0x0  }
0x46: {  	[sflag:s15] =	ssyncadd.s32 $0xFFFFC000  }
0x47: {  	[hbm4b:s16+s1] =	stream.linear.scatter [tilespmem:s9], [sflag:$0x5], $0x4000, $0x38;
	[tilespmem:$0x12340] =	vst v63  }
0x48: {  	_ =	swait.ge [sflag:s5], $0x4000  }
0x49: {  	[sflag:s5] =	ssyncset.done $0x0  }
0x4a: {  	[sflag:s5] =	ssyncadd.s32 $0xFFFFC000  }
0x4b: {  	[hbm4b:s12+s1] =	stream.linear.scatter [tilespmem:s7], [sflag:$0x5], $0x4000, $0x38;
	[tilespmem:$0x12340] =	vst v63  }
0x4c: {  	_ =	swait.ge [sflag:s5], $0x4000  }
0x4d: {  	[sflag:s5] =	ssyncset.done $0x0  }
0x4e: {  	[sflag:s5] =	ssyncadd.s32 $0xFFFFC000  }
0x4f: {  	[tilespmem:s9], [sflag:$0x2] =	stream.indirect.gather [spmem:s3], $0x80, s21, s17, $0xb8;
	[tilespmem:$0x12340] =	vst v63  }
0x50: {  	_ = 	snop  }
0x51: {  	[tilespmem:s7], [sflag:$0x4] =	stream.indirect.gather [hbm4b:s2+s17], $0x80, s22, s17, $0xb8;
	[tilespmem:$0x12340] =	vst v63  }
0x52: {  	_ =	swait.ge [sflag:s19], $0x4000  }
0x53: {  	[sflag:s19] =	ssyncset.done $0x0  }
0x54: {  	[sflag:s19] =	ssyncadd.s32 $0xFFFFC000  }
0x55: {  	_ =	swait.ge [sflag:s18], $0x4000  }
0x56: {  	[sflag:s18] =	ssyncset.done $0x0  }
0x57: {  	[sflag:s18] =	ssyncadd.s32 $0xFFFFC000  }
0x58: {  	[hbm4b:s10+s1] =	stream.linear.scatter [tilespmem:s14], [sflag:$0x5], $0x4000, $0x38;
	[tilespmem:$0x12340] =	vst v63  }
0x59: {  	_ =	swait.ge [sflag:s5], $0x4000  }
0x5a: {  	[sflag:s5] =	ssyncset.done $0x0  }
0x5b: {  	[sflag:s5] =	ssyncadd.s32 $0xFFFFC000  }
0x5c: {  	[hbm4b:s8+s1] =	stream.linear.scatter [tilespmem:s11], [sflag:$0x5], $0x4000, $0x38;
	[tilespmem:$0x12340] =	vst v63  }
0x5d: {  	_ =	swait.ge [sflag:s5], $0x4000  }
0x5e: {  	[sflag:s5] =	ssyncset.done $0x0  }
0x5f: {  	[sflag:s5] =	ssyncadd.s32 $0xFFFFC000  }
0x60: {  	_ =	swait.ge [sflag:s13], $0x4000  }
0x61: {  	[sflag:s13] =	ssyncset.done $0x0  }
0x62: {  	[sflag:s13] =	ssyncadd.s32 $0xFFFFC000  }
0x63: {  	_ =	swait.ge [sflag:s15], $0x4000  }
0x64: {  	[sflag:s15] =	ssyncset.done $0x0  }
0x65: {  	s31 =	sadd.s32 $0xFFFFFFFF, s31;
	[sflag:s15] =	ssyncadd.s32 $0xFFFFC000  }
0x66: {  	[hbm4b:s6+s1] =	stream.linear.scatter [tilespmem:s9], [sflag:$0x5], $0x4000, $0x38;
	[tilespmem:$0x12340] =	vst v63  }
0x67: {  	p2 =	sne.s32 s31, $0x0;
	_ =	swait.ge [sflag:s5], $0x4000  }
.Ltmp1:
0x68: {  	[sflag:s5] =	ssyncset.done $0x0;
	(pc) =	sbr.rel @!p2 .LBB2_2-.Ltmp1, $4  }
0x69: {  	[sflag:s5] =	ssyncadd.s32 $0xFFFFC000  }
0x6a: {  	[hbm4b:s4+s1] =	stream.linear.scatter [tilespmem:s7], [sflag:$0x5], $0x4000, $0x38;
	[tilespmem:$0x12340] =	vst v63  }
0x6b: {  	_ =	swait.ge [sflag:s5], $0x4000  }
0x6c: {  	p1 =	por $0x1, $0x1;
	s0 =	rddreg [dreg:$0x7];
	[sflag:s5] =	ssyncset.done $0x0  }
.LBB2_3:
0x6d: {  	[sflag:s5] =	ssyncadd.s32 $0xFFFFC000  }
0x6e: {  	[spmem:s28], [sflag:s29] =	dma.local @!p0 [hbm:s0], $0x3E80  }
0x6f: {  	_ =	swait.ge @!p0 [sflag:s30], $0x3E80  }
0x70: {  	[sflag:s30] =	ssyncset.done @!p0 $0x0  }
0x71: {  	s0 =	rddreg [dreg:$0x8];
	[sflag:s30] =	ssyncadd.s32 @!p0 $0xFFFFC180  }
0x72: {  	[tilespmem:s1], [sflag:$0x5] =	stream.linear.gather [hbm4b:s0+s1], $0x200, $0x38;
	[tilespmem:$0x12340] =	vst v63  }
0x73: {  	_ =	swait.ge [sflag:s5], $0x200  }
0x74: {  	[sflag:s5] =	ssyncset.done $0x0  }
0x75: {  	s0 =	rddreg [dreg:$0x9];
	[sflag:s5] =	ssyncadd.s32 $0xFFFFFE00  }
0x76: {  	[tilespmem:s25], [sflag:$0x5] =	stream.linear.gather [hbm4b:s0+s1], $0x200, $0x38;
	[tilespmem:$0x12340] =	vst v63  }
0x77: {  	_ =	swait.ge [sflag:s5], $0x200  }
0x78: {  	[sflag:s5] =	ssyncset.done $0x0  }
0x79: {  	[sflag:s5] =	ssyncadd.s32 $0xFFFFFE00  }
0x7a: {  	[bflag:$0x0] =	sbarrier.arrive $0xFFFF  }
0x7b: {  	[tilespmem:s14], [sflag:$0x1] =	stream.indirect.gather [spmem:s3], $0x80, s1, s17, $0xb8;
	[tilespmem:$0x12340] =	vst v63  }
0x7c: {  	_ = 	snop  }
0x7d: {  	[tilespmem:s11], [sflag:$0x3] =	stream.indirect.gather [hbm4b:s2+s17], $0x80, s25, s17, $0xb8;
	[tilespmem:$0x12340] =	vst v63  }
0x7e: {  	_ = 	snop  }
0x7f: {  	[tilespmem:s9], [sflag:$0x2] =	stream.indirect.gather [spmem:s3], $0x80, s17, s17, $0xb8;
	[tilespmem:$0x12340] =	vst v63  }
0x80: {  	_ = 	snop  }
0x81: {  	[tilespmem:s7], [sflag:$0x4] =	stream.indirect.gather [hbm4b:s2+s17], $0x80, s26, s17, $0xb8;
	[tilespmem:$0x12340] =	vst v63  }
0x82: {  	_ =	swait.ge [sflag:s19], $0x4000  }
0x83: {  	[sflag:s19] =	ssyncset.done $0x0  }
0x84: {  	[sflag:s19] =	ssyncadd.s32 $0xFFFFC000  }
0x85: {  	_ =	swait.ge [sflag:s18], $0x4000  }
0x86: {  	[sflag:s18] =	ssyncset.done $0x0  }
0x87: {  	s0 =	rddreg [dreg:$0xa];
	[sflag:s18] =	ssyncadd.s32 $0xFFFFC000  }
0x88: {  	[hbm4b:s0+s1] =	stream.linear.scatter [tilespmem:s14], [sflag:$0x5], $0x4000, $0x38;
	[tilespmem:$0x12340] =	vst v63  }
0x89: {  	_ =	swait.ge [sflag:s5], $0x4000  }
0x8a: {  	[sflag:s5] =	ssyncset.done $0x0  }
0x8b: {  	[sflag:s5] =	ssyncadd.s32 $0xFFFFC000  }
0x8c: {  	[hbm4b:s20+s1] =	stream.linear.scatter [tilespmem:s11], [sflag:$0x5], $0x4000, $0x38;
	[tilespmem:$0x12340] =	vst v63  }
0x8d: {  	_ =	swait.ge [sflag:s5], $0x4000  }
0x8e: {  	[sflag:s5] =	ssyncset.done $0x0  }
0x8f: {  	[sflag:s5] =	ssyncadd.s32 $0xFFFFC000  }
0x90: {  	[tilespmem:s14], [sflag:$0x1] =	stream.indirect.gather [spmem:s3], $0x80, s23, s17, $0xb8;
	[tilespmem:$0x12340] =	vst v63  }
0x91: {  	_ = 	snop  }
0x92: {  	[tilespmem:s11], [sflag:$0x3] =	stream.indirect.gather [hbm4b:s2+s17], $0x80, s24, s17, $0xb8;
	[tilespmem:$0x12340] =	vst v63  }
0x93: {  	_ =	swait.ge [sflag:s13], $0x4000  }
0x94: {  	[sflag:s13] =	ssyncset.done $0x0  }
0x95: {  	[sflag:s13] =	ssyncadd.s32 $0xFFFFC000  }
0x96: {  	_ =	swait.ge [sflag:s15], $0x4000  }
0x97: {  	[sflag:s15] =	ssyncset.done $0x0  }
0x98: {  	[sflag:s15] =	ssyncadd.s32 $0xFFFFC000  }
0x99: {  	[hbm4b:s16+s1] =	stream.linear.scatter [tilespmem:s9], [sflag:$0x5], $0x4000, $0x38;
	[tilespmem:$0x12340] =	vst v63  }
0x9a: {  	_ =	swait.ge [sflag:s5], $0x4000  }
0x9b: {  	[sflag:s5] =	ssyncset.done $0x0  }
0x9c: {  	[sflag:s5] =	ssyncadd.s32 $0xFFFFC000  }
0x9d: {  	[hbm4b:s12+s1] =	stream.linear.scatter [tilespmem:s7], [sflag:$0x5], $0x4000, $0x38;
	[tilespmem:$0x12340] =	vst v63  }
0x9e: {  	_ =	swait.ge [sflag:s5], $0x4000  }
0x9f: {  	[sflag:s5] =	ssyncset.done $0x0  }
0xa0: {  	[sflag:s5] =	ssyncadd.s32 $0xFFFFC000  }
0xa1: {  	[tilespmem:s9], [sflag:$0x2] =	stream.indirect.gather [spmem:s3], $0x80, s21, s17, $0xb8;
	[tilespmem:$0x12340] =	vst v63  }
0xa2: {  	_ = 	snop  }
0xa3: {  	[tilespmem:s7], [sflag:$0x4] =	stream.indirect.gather [hbm4b:s2+s17], $0x80, s22, s17, $0xb8;
	[tilespmem:$0x12340] =	vst v63  }
0xa4: {  	_ =	swait.ge [sflag:s19], $0x4000  }
0xa5: {  	[sflag:s19] =	ssyncset.done $0x0  }
0xa6: {  	[sflag:s19] =	ssyncadd.s32 $0xFFFFC000  }
0xa7: {  	_ =	swait.ge [sflag:s18], $0x4000  }
0xa8: {  	[sflag:s18] =	ssyncset.done $0x0  }
0xa9: {  	[sflag:s18] =	ssyncadd.s32 $0xFFFFC000  }
0xaa: {  	[hbm4b:s10+s1] =	stream.linear.scatter [tilespmem:s14], [sflag:$0x5], $0x4000, $0x38;
	[tilespmem:$0x12340] =	vst v63  }
0xab: {  	_ =	swait.ge [sflag:s5], $0x4000  }
0xac: {  	[sflag:s5] =	ssyncset.done $0x0  }
0xad: {  	[sflag:s5] =	ssyncadd.s32 $0xFFFFC000  }
0xae: {  	[hbm4b:s8+s1] =	stream.linear.scatter [tilespmem:s11], [sflag:$0x5], $0x4000, $0x38;
	[tilespmem:$0x12340] =	vst v63  }
0xaf: {  	_ =	swait.ge [sflag:s5], $0x4000  }
0xb0: {  	[sflag:s5] =	ssyncset.done $0x0  }
0xb1: {  	[sflag:s5] =	ssyncadd.s32 $0xFFFFC000  }
0xb2: {  	_ =	swait.ge [sflag:s13], $0x4000  }
0xb3: {  	[sflag:s13] =	ssyncset.done $0x0  }
0xb4: {  	[sflag:s13] =	ssyncadd.s32 $0xFFFFC000  }
0xb5: {  	_ =	swait.ge [sflag:s15], $0x4000  }
0xb6: {  	[sflag:s15] =	ssyncset.done $0x0  }
0xb7: {  	s31 =	sadd.s32 $0xFFFFFFFF, s31;
	[sflag:s15] =	ssyncadd.s32 $0xFFFFC000  }
0xb8: {  	[hbm4b:s6+s1] =	stream.linear.scatter [tilespmem:s9], [sflag:$0x5], $0x4000, $0x38;
	[tilespmem:$0x12340] =	vst v63  }
0xb9: {  	p2 =	sne.s32 s31, $0x0;
	_ =	swait.ge [sflag:s5], $0x4000  }
.Ltmp2:
0xba: {  	[sflag:s5] =	ssyncset.done $0x0;
	(pc) =	sbr.rel @p2 .LBB2_3-.Ltmp2, $4  }
0xbb: {  	[sflag:s5] =	ssyncadd.s32 $0xFFFFC000  }
0xbc: {  	[hbm4b:s4+s1] =	stream.linear.scatter [tilespmem:s7], [sflag:$0x5], $0x4000, $0x38;
	[tilespmem:$0x12340] =	vst v63  }
0xbd: {  	_ =	swait.ge [sflag:s5], $0x4000  }
0xbe: {  	s0 =	rddreg [dreg:$0x7];
	[sflag:s5] =	ssyncset.done $0x0  }
0xbf: {  	s30 =	rddreg [dreg:$0x6]  }
.LBB2_5:
0xc0: {  	[sflag:s5] =	ssyncadd.s32 @p1 $0xFFFFC000;
	s29 =	simm.s32 @!p0 $0x1C05  }
0xc1: {  	[spmem:s28], [sflag:s29] =	dma.local @!p0 [hbm:s0], $0x3E80  }
0xc2: {  	s0 =	simm.s32 @!p0 $0x5  }
0xc3: {  	_ =	swait.ge @!p0 [sflag:s0], $0x3E80  }
0xc4: {  	[sflag:s0] =	ssyncset.done @!p0 $0x0  }
0xc5: {  	s31 =	rddreg [dreg:$0x8];
	[sflag:s0] =	ssyncadd.s32 @!p0 $0xFFFFC180  }
0xc6: {  	[tilespmem:s1], [sflag:$0x5] =	stream.linear.gather [hbm4b:s31+s1], $0x200, $0x38;
	[tilespmem:$0x12340] =	vst v63  }
0xc7: {  	_ =	swait.ge [sflag:s5], $0x200  }
0xc8: {  	[sflag:s5] =	ssyncset.done $0x0  }
0xc9: {  	s29 =	rddreg [dreg:$0x9];
	[sflag:s5] =	ssyncadd.s32 $0xFFFFFE00  }
0xca: {  	[tilespmem:s25], [sflag:$0x5] =	stream.linear.gather [hbm4b:s29+s1], $0x200, $0x38;
	[tilespmem:$0x12340] =	vst v63  }
0xcb: {  	_ =	swait.ge [sflag:s5], $0x200  }
0xcc: {  	[sflag:s5] =	ssyncset.done $0x0  }
0xcd: {  	[sflag:s5] =	ssyncadd.s32 $0xFFFFFE00  }
0xce: {  	[bflag:$0x0] =	sbarrier.arrive $0xFFFF  }
0xcf: {  	[tilespmem:s14], [sflag:$0x1] =	stream.indirect.gather [spmem:s3], $0x80, s1, s17, $0xb8;
	[tilespmem:$0x12340] =	vst v63  }
0xd0: {  	_ = 	snop  }
0xd1: {  	[tilespmem:s11], [sflag:$0x3] =	stream.indirect.gather [hbm4b:s2+s17], $0x80, s25, s17, $0xb8;
	[tilespmem:$0x12340] =	vst v63  }
0xd2: {  	_ = 	snop  }
0xd3: {  	[tilespmem:s9], [sflag:$0x2] =	stream.indirect.gather [spmem:s3], $0x80, s17, s17, $0xb8;
	[tilespmem:$0x12340] =	vst v63  }
0xd4: {  	_ = 	snop  }
0xd5: {  	[tilespmem:s7], [sflag:$0x4] =	stream.indirect.gather [hbm4b:s2+s17], $0x80, s26, s17, $0xb8;
	[tilespmem:$0x12340] =	vst v63  }
0xd6: {  	_ =	swait.ge [sflag:s19], $0x4000  }
0xd7: {  	[sflag:s19] =	ssyncset.done $0x0  }
0xd8: {  	[sflag:s19] =	ssyncadd.s32 $0xFFFFC000  }
0xd9: {  	_ =	swait.ge [sflag:s18], $0x4000  }
0xda: {  	[sflag:s18] =	ssyncset.done $0x0  }
0xdb: {  	s31 =	rddreg [dreg:$0xa];
	[sflag:s18] =	ssyncadd.s32 $0xFFFFC000  }
0xdc: {  	[hbm4b:s31+s1] =	stream.linear.scatter [tilespmem:s14], [sflag:$0x5], $0x4000, $0x38;
	[tilespmem:$0x12340] =	vst v63  }
0xdd: {  	_ =	swait.ge [sflag:s5], $0x4000  }
0xde: {  	[sflag:s5] =	ssyncset.done $0x0  }
0xdf: {  	[sflag:s5] =	ssyncadd.s32 $0xFFFFC000  }
0xe0: {  	[hbm4b:s20+s1] =	stream.linear.scatter [tilespmem:s11], [sflag:$0x5], $0x4000, $0x38;
	[tilespmem:$0x12340] =	vst v63  }
0xe1: {  	_ =	swait.ge [sflag:s5], $0x4000  }
0xe2: {  	[sflag:s5] =	ssyncset.done $0x0  }
0xe3: {  	[sflag:s5] =	ssyncadd.s32 $0xFFFFC000  }
0xe4: {  	[tilespmem:s14], [sflag:$0x1] =	stream.indirect.gather [spmem:s3], $0x80, s23, s17, $0xb8;
	[tilespmem:$0x12340] =	vst v63  }
0xe5: {  	_ = 	snop  }
0xe6: {  	[tilespmem:s11], [sflag:$0x3] =	stream.indirect.gather [hbm4b:s2+s17], $0x80, s24, s17, $0xb8;
	[tilespmem:$0x12340] =	vst v63  }
0xe7: {  	_ =	swait.ge [sflag:s13], $0x4000  }
0xe8: {  	[sflag:s13] =	ssyncset.done $0x0  }
0xe9: {  	[sflag:s13] =	ssyncadd.s32 $0xFFFFC000  }
0xea: {  	_ =	swait.ge [sflag:s15], $0x4000  }
0xeb: {  	[sflag:s15] =	ssyncset.done $0x0  }
0xec: {  	[sflag:s15] =	ssyncadd.s32 $0xFFFFC000  }
0xed: {  	[hbm4b:s16+s1] =	stream.linear.scatter [tilespmem:s9], [sflag:$0x5], $0x4000, $0x38;
	[tilespmem:$0x12340] =	vst v63  }
0xee: {  	_ =	swait.ge [sflag:s5], $0x4000  }
0xef: {  	[sflag:s5] =	ssyncset.done $0x0  }
0xf0: {  	[sflag:s5] =	ssyncadd.s32 $0xFFFFC000  }
0xf1: {  	[hbm4b:s12+s1] =	stream.linear.scatter [tilespmem:s7], [sflag:$0x5], $0x4000, $0x38;
	[tilespmem:$0x12340] =	vst v63  }
0xf2: {  	_ =	swait.ge [sflag:s5], $0x4000  }
0xf3: {  	[sflag:s5] =	ssyncset.done $0x0  }
0xf4: {  	[sflag:s5] =	ssyncadd.s32 $0xFFFFC000  }
0xf5: {  	[tilespmem:s9], [sflag:$0x2] =	stream.indirect.gather [spmem:s3], $0x80, s21, s17, $0xb8;
	[tilespmem:$0x12340] =	vst v63  }
0xf6: {  	_ = 	snop  }
0xf7: {  	[tilespmem:s7], [sflag:$0x4] =	stream.indirect.gather [hbm4b:s2+s17], $0x80, s22, s17, $0xb8;
	[tilespmem:$0x12340] =	vst v63  }
0xf8: {  	_ =	swait.ge [sflag:s19], $0x4000  }
0xf9: {  	[sflag:s19] =	ssyncset.done $0x0  }
0xfa: {  	[sflag:s19] =	ssyncadd.s32 $0xFFFFC000  }
0xfb: {  	_ =	swait.ge [sflag:s18], $0x4000  }
0xfc: {  	[sflag:s18] =	ssyncset.done $0x0  }
0xfd: {  	[sflag:s18] =	ssyncadd.s32 $0xFFFFC000  }
0xfe: {  	[hbm4b:s10+s1] =	stream.linear.scatter [tilespmem:s14], [sflag:$0x5], $0x4000, $0x38;
	[tilespmem:$0x12340] =	vst v63  }
0xff: {  	_ =	swait.ge [sflag:s5], $0x4000  }
0x100: {  	[sflag:s5] =	ssyncset.done $0x0  }
0x101: {  	[sflag:s5] =	ssyncadd.s32 $0xFFFFC000  }
0x102: {  	[hbm4b:s8+s1] =	stream.linear.scatter [tilespmem:s11], [sflag:$0x5], $0x4000, $0x38;
	[tilespmem:$0x12340] =	vst v63  }
0x103: {  	_ =	swait.ge [sflag:s5], $0x4000  }
0x104: {  	[sflag:s5] =	ssyncset.done $0x0  }
0x105: {  	[sflag:s5] =	ssyncadd.s32 $0xFFFFC000  }
0x106: {  	_ =	swait.ge [sflag:s13], $0x4000  }
0x107: {  	[sflag:s13] =	ssyncset.done $0x0  }
0x108: {  	[sflag:s13] =	ssyncadd.s32 $0xFFFFC000  }
0x109: {  	_ =	swait.ge [sflag:s15], $0x4000  }
0x10a: {  	[sflag:s15] =	ssyncset.done $0x0  }
0x10b: {  	[sflag:s15] =	ssyncadd.s32 $0xFFFFC000  }
0x10c: {  	[hbm4b:s6+s1] =	stream.linear.scatter [tilespmem:s9], [sflag:$0x5], $0x4000, $0x38;
	[tilespmem:$0x12340] =	vst v63  }
0x10d: {  	_ =	swait.ge [sflag:s5], $0x4000  }
0x10e: {  	[sflag:s5] =	ssyncset.done $0x0  }
0x10f: {  	[sflag:s5] =	ssyncadd.s32 $0xFFFFC000  }
0x110: {  	[hbm4b:s4+s1] =	stream.linear.scatter [tilespmem:s7], [sflag:$0x5], $0x4000, $0x38;
	[tilespmem:$0x12340] =	vst v63  }
0x111: {  	_ =	swait.ge [sflag:s5], $0x4000  }
0x112: {  	[sflag:s5] =	ssyncset.done $0x0  }
0x113: {  	[sflag:s5] =	ssyncadd.s32 $0xFFFFC000  }
0x114: {  	_ =	sfence.sel $0x180000  }
0x115: {  	[bflag:$0x0] =	sbarrier.arrive $0xFFFF  }
0x116: {  	_ =	strace $0x90000047  }
0x117: {  	s0 =	sadd.s32 @!p0 $0x100000, s30;
	[bflag:$0x2] =	sbarrier.arrive $0xFFFF  }
0x118: {  	[sflag:s0] =	ssyncadd.tile.s32 @!p0 $0x1;
	_ =	shalt  }
.LBB2_2:
.Ltmp3:
0x119: {  	(pc) =	sbr.rel .LBB2_5-.Ltmp3, $2  }
0x11a: {  	_ =	sdelay $0x2  }
0x11b: {  	s30 =	rddreg [dreg:$0x6]  }
.Lfunc_end2:
_tile_overlayer_lowered:
.L_overlay_start_2:
0x11c: {  	(tag) =	ssettag $0x2  }
0x11d: {  	s0 =	rddreg [dreg:$0x0];
	s2 =	stileid.u32  }
0x11e: {  	s1 =	rddreg [dreg:$0x1];
	p0 =	sne.s32 s2, $0x0  }
0x11f: {  	s3 =	rddreg [dreg:$0x2];
	[bflag:$0x3] =	sbarrier.arrive $0xFFFF;
	s2 =	simm.s32 @!p0 $0x1C05  }
0x120: {  	[timem:s3], [sflag:s2] =	dma.local @!p0 [hbm:s0], s1  }
0x121: {  	s0 =	simm.s32 @!p0 $0x5  }
0x122: {  	_ =	swait.ge @!p0 [sflag:s0], s1  }
0x123: {  	s1 =	ssub.s32 @!p0 $0x0, s1;
	[sflag:s0] =	ssyncset.done @!p0 $0x0  }
0x124: {  	[sflag:s0] =	ssyncadd.s32 @!p0 s1  }
0x125: {  	[bflag:$0x3] =	sbarrier.arrive $0xFFFF  }
0x126: {  	_ =	shalt  }

</sc_bundles>
